<compile_context>
chip_gen: v7x
topology: tpu7x:2x2x1
jax: 0.10.2.dev20260603
libtpu: 0.0.44.dev20260713+nightly
codegen_flags: <defaults>
</compile_context>

<pallas_src>
import functools

import jax
import jax.numpy as jnp
import numpy as np
from jax.experimental import pallas as pl
from jax.experimental.pallas import tpu as pltpu

_SIGMA_X = 0.1
_SIGMA_Y = 0.1
_C_LOGSIG = np.float32(2.0 * np.log(_SIGMA_Y))
_C_LOG2PI = np.float32(np.log(2.0 * np.pi))

_NT = (((1,), (1,)), ((), ()))


def _fused_body(xt_ref, nt_ref, lwt_ref, f_ref, g_ref, y_ref,
                xtt_ref, lwn_ref, m_ref, s_ref, mean_ref, cov_ref,
                m_acc, s_acc, sx_acc, cov_acc, xstash, lwstash,
                *, num_blocks, block):
    p = pl.program_id(0)
    i = pl.program_id(1)
    f32 = jnp.float32

    @pl.when((p == 0) & (i == 0))
    def _init0():
        m_acc[0, 0] = jnp.float32(-jnp.inf)
        s_acc[0, 0] = jnp.float32(0.0)
        sx_acc[...] = jnp.zeros_like(sx_acc)

    @pl.when(p == 0)
    def _phase0():
        xb = jnp.dot(f_ref[...], xt_ref[...], preferred_element_type=f32)
        xb = xb + jnp.float32(_SIGMA_X) * nt_ref[...]
        xtt_ref[...] = xb
        xstash[:, pl.ds(i * block, block)] = xb

        ym = jnp.dot(g_ref[...], xb, preferred_element_type=f32)
        dd = (y_ref[...] - ym) / jnp.float32(_SIGMA_Y)
        terms = dd * dd + _C_LOGSIG + _C_LOG2PI
        lp = -0.5 * jnp.sum(terms, axis=0, keepdims=True)

        lwn = lwt_ref[...] + lp
        lwn_ref[...] = lwn
        lwstash[:, pl.ds(i * block, block)] = lwn

        bm = jnp.max(lwn)
        m_old = m_acc[0, 0]
        m_new = jnp.maximum(m_old, bm)
        alpha = jnp.exp(m_old - m_new)
        w = jnp.exp(lwn - m_new)
        s_acc[0, 0] = s_acc[0, 0] * alpha + jnp.sum(w)
        sx_acc[...] = (sx_acc[...] * alpha
                       + jnp.sum(w * xb, axis=1, keepdims=True))
        m_acc[0, 0] = m_new

        @pl.when(i == num_blocks - 1)
        def _finish0():
            m_ref[0, 0] = m_new
            s_tot = s_acc[0, 0]
            s_ref[0, 0] = s_tot
            mean_ref[...] = sx_acc[...] / s_tot

    @pl.when(p == 1)
    def _phase1():
        @pl.when(i == 0)
        def _init1():
            cov_acc[...] = jnp.zeros_like(cov_acc)

        xb = xstash[:, pl.ds(i * block, block)]
        lwn = lwstash[:, pl.ds(i * block, block)]
        w = jnp.exp(lwn - m_acc[0, 0]) / s_acc[0, 0]
        mean = sx_acc[...] / s_acc[0, 0]
        xc = xb - mean
        wxc = xc * w
        cov_acc[...] += jax.lax.dot_general(wxc, xc, _NT,
                                            preferred_element_type=f32)

        @pl.when(i == num_blocks - 1)
        def _finish1():
            cov_ref[...] = cov_acc[...]


def _pipeline(x_base, lw_base, y_T, noise, F, G):
    n, xdim = x_base.shape
    ydim = y_T.shape[0]
    block = 16384 if n % 16384 == 0 else n
    num_blocks = n // block
    last = num_blocks - 1

    xt = x_base.T
    nt = noise.T
    lwt = lw_base.reshape(1, n)
    ycol = y_T.reshape(ydim, 1)

    def pin(io):
        return lambda p, i: (0, io(i) * (1 - p) + last * p)

    f32 = jnp.float32
    xtt, lwn, m_max, s_sum, mean_col, cov = pl.pallas_call(
        functools.partial(_fused_body, num_blocks=num_blocks, block=block),
        grid=(2, num_blocks),
        in_specs=[
            pl.BlockSpec((xdim, block), pin(lambda i: i)),
            pl.BlockSpec((xdim, block), pin(lambda i: i)),
            pl.BlockSpec((1, block), pin(lambda i: i)),
            pl.BlockSpec((xdim, xdim), lambda p, i: (0, 0)),
            pl.BlockSpec((ydim, xdim), lambda p, i: (0, 0)),
            pl.BlockSpec((ydim, 1), lambda p, i: (0, 0)),
        ],
        out_specs=[
            pl.BlockSpec((xdim, block), pin(lambda i: i)),
            pl.BlockSpec((1, block), pin(lambda i: i)),
            pl.BlockSpec(memory_space=pltpu.SMEM),
            pl.BlockSpec(memory_space=pltpu.SMEM),
            pl.BlockSpec((xdim, 1), lambda p, i: (0, 0)),
            pl.BlockSpec((xdim, xdim), lambda p, i: (0, 0)),
        ],
        out_shape=[
            jax.ShapeDtypeStruct((xdim, n), f32),
            jax.ShapeDtypeStruct((1, n), f32),
            jax.ShapeDtypeStruct((1, 1), f32),
            jax.ShapeDtypeStruct((1, 1), f32),
            jax.ShapeDtypeStruct((xdim, 1), f32),
            jax.ShapeDtypeStruct((xdim, xdim), f32),
        ],
        scratch_shapes=[
            pltpu.SMEM((1, 1), f32),
            pltpu.SMEM((1, 1), f32),
            pltpu.VMEM((xdim, 1), f32),
            pltpu.VMEM((xdim, xdim), f32),
            pltpu.VMEM((xdim, n), f32),
            pltpu.VMEM((1, n), f32),
        ],
    )(xt, nt, lwt, F, G, ycol)

    x_T = xtt.T
    log_w_new = lwn.reshape(n, 1)
    x_t_mean = mean_col.reshape(xdim)
    return x_T, log_w_new, x_t_mean, cov


def kernel(x_Tm1, log_w, y_T, noise, F, G):
    n = x_Tm1.shape[0]
    lw = log_w[:, 0]
    log_ess = (2.0 * jax.scipy.special.logsumexp(lw)
               - jax.scipy.special.logsumexp(2.0 * lw))
    do_resample = log_ess <= np.log(n / 2.0)

    def _resampled(_):
        key = jax.random.key(42)
        ancestors = jax.random.categorical(key, lw, shape=(n,))
        x_r = jnp.take(x_Tm1, ancestors, axis=0)
        lw_r = jnp.full_like(log_w, -np.log(n))
        return _pipeline(x_r, lw_r, y_T, noise, F, G)

    def _plain(_):
        return _pipeline(x_Tm1, log_w, y_T, noise, F, G)

    return jax.lax.cond(do_resample, _resampled, _plain, operand=None)

# --- scband reference (transcript-rebuilt; emitter-appended) ---
"""Pipeline reference for scband-bootstrap-particle-filter-70909910057308 (READ-ONLY COPY).

The authoritative reference and input builder live on the scoring server;
editing this copy changes nothing except your own understanding.
"""

import jax, jax.numpy as jnp
import numpy as np

N = 131072
XDIM = 32
YDIM = 16
SIGMA_X = 0.1
SIGMA_Y = 0.1

def setup_inputs(seed: int = 0):
    key = jax.random.key(seed)
    k1, k2, k3, k4, k5, k6 = jax.random.split(key, 6)
    x_Tm1 = jax.random.normal(k1, (N, XDIM), jnp.float32)
    log_w = jax.random.normal(k2, (N, 1), jnp.float32) * 0.5 - np.log(N)
    y_T = jax.random.normal(k3, (YDIM,), jnp.float32)
    noise = jax.random.normal(k4, (N, XDIM), jnp.float32)
    F = jax.random.normal(k5, (XDIM, XDIM), jnp.float32) / np.sqrt(XDIM)
    G = jax.random.normal(k6, (YDIM, XDIM), jnp.float32) / np.sqrt(XDIM)
    return {"x_Tm1": x_Tm1, "log_w": log_w, "y_T": y_T, "noise": noise, "F": F, "G": G}

def log_ess(log_w):
    lw = log_w[:, 0]
    return 2.0 * jax.scipy.special.logsumexp(lw) - jax.scipy.special.logsumexp(2.0 * lw)

def reference(x_Tm1, log_w, y_T, noise, F, G):
    num_particles = x_Tm1.shape[0]
    # resample_criterion (this is a T>0 step)
    do_resample = log_ess(log_w) <= np.log(num_particles / 2.0)
    # resample: Categorical(logits=log_w[:,0]).sample((N,)) then gather ancestors
    key = jax.random.key(42)
    ancestors = jax.random.categorical(key, log_w[:, 0], shape=(num_particles,))
    x_resampled = jnp.take(x_Tm1, ancestors, axis=0)
    x_base = jnp.where(do_resample, x_resampled, x_Tm1)
    log_w_base = jnp.where(do_resample, jnp.full_like(log_w, -np.log(num_particles)), log_w)
    # sample_q_T: pred_dist = F_fn(x_Tm1) = Normal(x_base @ F.T, SIGMA_X); reparameterized sample
    mean = x_base @ F.T
    x_T = mean + SIGMA_X * noise
    # compute_log_p_t: G_fn(x_T).log_prob(y_T) with G_fn = Normal(x_T @ G.T, SIGMA_Y)
    y_mean = x_T @ G.T
    log_p_y_t = -0.5 * jnp.sum(((y_T - y_mean) / SIGMA_Y) ** 2 + 2.0 * np.log(SIGMA_Y) + np.log(2.0 * np.pi), axis=-1, keepdims=True)
    # update: log_w += log_p_y_t
    log_w_new = log_w_base + log_p_y_t
    # return_summary_stats
    normalized_w = jax.nn.softmax(log_w_new, axis=0)
    x_t_mean = jnp.sum(x_T * normalized_w, axis=0)
    xc = x_T - x_t_mean
    x_t_cov = (xc * normalized_w).T @ xc
    return x_T, log_w_new, x_t_mean, x_t_cov

if __name__ == "__main__":
    import jax
    _d = setup_inputs()
    print(jax.jit(kernel)(*tuple(_d.values())))

</pallas_src>

<mosaic_0001>
module attributes {stable_mosaic.version = 14 : i64} {
  func.func @_fused_body(%arg0: i32, %arg1: i32, %arg2: memref<32x16384xf32, #tpu.memory_space<vmem>>, %arg3: memref<32x16384xf32, #tpu.memory_space<vmem>>, %arg4: memref<1x16384xf32, #tpu.memory_space<vmem>>, %arg5: memref<32x32xf32, #tpu.memory_space<vmem>>, %arg6: memref<16x32xf32, #tpu.memory_space<vmem>>, %arg7: memref<16x1xf32, #tpu.memory_space<vmem>>, %arg8: memref<32x16384xf32, #tpu.memory_space<vmem>>, %arg9: memref<1x16384xf32, #tpu.memory_space<vmem>>, %arg10: memref<1x1xf32, #tpu.memory_space<smem>>, %arg11: memref<1x1xf32, #tpu.memory_space<smem>>, %arg12: memref<32x1xf32, #tpu.memory_space<vmem>>, %arg13: memref<32x32xf32, #tpu.memory_space<vmem>>, %arg14: memref<1x1xf32, #tpu.memory_space<smem>>, %arg15: memref<1x1xf32, #tpu.memory_space<smem>>, %arg16: memref<32x1xf32, #tpu.memory_space<vmem>>, %arg17: memref<32x32xf32, #tpu.memory_space<vmem>>, %arg18: memref<32x131072xf32, #tpu.memory_space<vmem>>, %arg19: memref<1x131072xf32, #tpu.memory_space<vmem>>) attributes {dimension_semantics = [#tpu.dimension_semantics<arbitrary>, #tpu.dimension_semantics<arbitrary>], iteration_bounds = array<i64: 2, 8>, scalar_prefetch = 0 : i64, scratch_operands = 6 : i64, tpu.core_type = #tpu.core_type<tc>, window_params = [{transform_indices = @transform_0, window_bounds = array<i64: 32, 16384>}, {transform_indices = @transform_1, window_bounds = array<i64: 32, 16384>}, {transform_indices = @transform_2, window_bounds = array<i64: 1, 16384>}, {pipeline_mode = #tpu.pipeline_mode<synchronous>, transform_indices = @transform_3, window_bounds = array<i64: 32, 32>}, {pipeline_mode = #tpu.pipeline_mode<synchronous>, transform_indices = @transform_4, window_bounds = array<i64: 16, 32>}, {pipeline_mode = #tpu.pipeline_mode<synchronous>, transform_indices = @transform_5, window_bounds = array<i64: 16, 1>}, {transform_indices = @transform_6, window_bounds = array<i64: 32, 16384>}, {transform_indices = @transform_7, window_bounds = array<i64: 1, 16384>}, {transform_indices = @transform_8, window_bounds = array<i64: 1, 1>}, {transform_indices = @transform_9, window_bounds = array<i64: 1, 1>}, {pipeline_mode = #tpu.pipeline_mode<synchronous>, transform_indices = @transform_10, window_bounds = array<i64: 32, 1>}, {pipeline_mode = #tpu.pipeline_mode<synchronous>, transform_indices = @transform_11, window_bounds = array<i64: 32, 32>}]} {
    %eq3A = arith.constant 0 : i32
    %eq3A_0 = arith.cmpi eq, %arg0, %eq3A : i32
    %eq3A_1 = arith.constant 0 : i32
    %eq3A_2 = arith.cmpi eq, %arg1, %eq3A_1 : i32
    %and3A = arith.andi %eq3A_0, %eq3A_2 : i1
    %convert_element_type3A = arith.extui %and3A : i1 to i32
    %cond3A = arith.constant 0 : i32
    %cond3A_3 = arith.cmpi ne, %convert_element_type3A, %cond3A : i32
    scf.if %cond3A_3 {
      %swap3A = arith.constant 0xFF800000 : f32
      %swap3A_14 = arith.constant 0 : index
      %swap3A_15 = arith.constant 0 : index
      %swap3A_16 = memref.load %arg14[%swap3A_14, %swap3A_15] : memref<1x1xf32, #tpu.memory_space<smem>>
      memref.store %swap3A, %arg14[%swap3A_14, %swap3A_15] : memref<1x1xf32, #tpu.memory_space<smem>>
      %swap3A_17 = arith.constant 0.000000e+00 : f32
      %swap3A_18 = arith.constant 0 : index
      %swap3A_19 = arith.constant 0 : index
      %swap3A_20 = memref.load %arg15[%swap3A_18, %swap3A_19] : memref<1x1xf32, #tpu.memory_space<smem>>
      memref.store %swap3A_17, %arg15[%swap3A_18, %swap3A_19] : memref<1x1xf32, #tpu.memory_space<smem>>
      %broadcast_in_dim3A = arith.constant 0.000000e+00 : f32
      %broadcast_in_dim3A_21 = vector.broadcast %broadcast_in_dim3A : f32 to vector<32x1xf32>
      %swap3A_22 = arith.constant 0 : index
      %swap3A_23 = arith.constant 0 : index
      %swap3A_24 = vector.load %arg16[%swap3A_22, %swap3A_23] : memref<32x1xf32, #tpu.memory_space<vmem>>, vector<32x1xf32>
      tpu.vector_store %arg16[%swap3A_22, %swap3A_23], %broadcast_in_dim3A_21 {strides = array<i32>} : memref<32x1xf32, #tpu.memory_space<vmem>>, vector<32x1xf32>,
    } else {
    }
    %eq3A_4 = arith.constant 0 : i32
    %eq3A_5 = arith.cmpi eq, %arg0, %eq3A_4 : i32
    %convert_element_type3A_6 = arith.extui %eq3A_5 : i1 to i32
    %cond3A_7 = arith.constant 0 : i32
    %cond3A_8 = arith.cmpi ne, %convert_element_type3A_6, %cond3A_7 : i32
    scf.if %cond3A_8 {
      %get3A = arith.constant 0 : index
      %get3A_14 = arith.constant 0 : index
      %get3A_15 = vector.load %arg5[%get3A, %get3A_14] : memref<32x32xf32, #tpu.memory_space<vmem>>, vector<32x32xf32>
      %get3A_16 = arith.constant 0 : index
      %get3A_17 = arith.constant 0 : index
      %get3A_18 = vector.load %arg2[%get3A_16, %get3A_17] : memref<32x16384xf32, #tpu.memory_space<vmem>>, vector<32x16384xf32>
      %dot_general3A = arith.constant dense<0.000000e+00> : vector<32x16384xf32>
      %dot_general3A_19 = tpu.matmul %get3A_15, %get3A_18, %dot_general3A {dimension_numbers = #tpu.dot_dimension_numbers<[1], [0], [0], [1], [0, 0, 1, 1], [], []>, transpose_lhs_hint = false} : vector<32x32xf32>, vector<32x16384xf32>, vector<32x16384xf32> -> vector<32x16384xf32>
      %get3A_20 = arith.constant 0 : index
      %get3A_21 = arith.constant 0 : index
      %get3A_22 = vector.load %arg3[%get3A_20, %get3A_21] : memref<32x16384xf32, #tpu.memory_space<vmem>>, vector<32x16384xf32>
      %mul3A = arith.constant 1.000000e-01 : f32
      %mul3A_23 = vector.broadcast %mul3A : f32 to vector<32x16384xf32>
      %mul3A_24 = arith.mulf %mul3A_23, %get3A_22 : vector<32x16384xf32>
      %add3A = arith.addf %dot_general3A_19, %mul3A_24 : vector<32x16384xf32>
      %swap3A = arith.constant 0 : index
      %swap3A_25 = arith.constant 0 : index
      %swap3A_26 = vector.load %arg8[%swap3A, %swap3A_25] : memref<32x16384xf32, #tpu.memory_space<vmem>>, vector<32x16384xf32>
      tpu.vector_store %arg8[%swap3A, %swap3A_25], %add3A {strides = array<i32>} : memref<32x16384xf32, #tpu.memory_space<vmem>>, vector<32x16384xf32>,
      %mul3A_27 = arith.constant 16384 : i32
      %mul3A_28 = arith.muli %arg1, %mul3A_27 : i32
      %swap3A_29 = arith.constant 0 : index
      %swap3A_30 = arith.index_cast %mul3A_28 : i32 to index
      %swap3A_31 = vector.load %arg18[%swap3A_29, %swap3A_30] : memref<32x131072xf32, #tpu.memory_space<vmem>>, vector<32x16384xf32>
      tpu.vector_store %arg18[%swap3A_29, %swap3A_30], %add3A {strides = array<i32>} : memref<32x131072xf32, #tpu.memory_space<vmem>>, vector<32x16384xf32>,
      %get3A_32 = arith.constant 0 : index
      %get3A_33 = arith.constant 0 : index
      %get3A_34 = vector.load %arg6[%get3A_32, %get3A_33] : memref<16x32xf32, #tpu.memory_space<vmem>>, vector<16x32xf32>
      %dot_general3A_35 = arith.constant dense<0.000000e+00> : vector<16x16384xf32>
      %dot_general3A_36 = tpu.matmul %get3A_34, %add3A, %dot_general3A_35 {dimension_numbers = #tpu.dot_dimension_numbers<[1], [0], [0], [1], [0, 0, 1, 1], [], []>, transpose_lhs_hint = false} : vector<16x32xf32>, vector<32x16384xf32>, vector<16x16384xf32> -> vector<16x16384xf32>
      %get3A_37 = arith.constant 0 : index
      %get3A_38 = arith.constant 0 : index
      %get3A_39 = vector.load %arg7[%get3A_37, %get3A_38] : memref<16x1xf32, #tpu.memory_space<vmem>>, vector<16x1xf32>
      %sub3A = vector.broadcast %get3A_39 : vector<16x1xf32> to vector<16x16384xf32>
      %sub3A_40 = arith.subf %sub3A, %dot_general3A_36 : vector<16x16384xf32>
      %div3A = arith.constant 1.000000e-01 : f32
      %div3A_41 = vector.broadcast %div3A : f32 to vector<16x16384xf32>
      %div3A_42 = arith.divf %sub3A_40, %div3A_41 : vector<16x16384xf32>
      %mul3A_43 = arith.mulf %div3A_42, %div3A_42 : vector<16x16384xf32>
      %add3A_44 = arith.constant -4.60517025 : f32
      %add3A_45 = vector.broadcast %add3A_44 : f32 to vector<16x16384xf32>
      %add3A_46 = arith.addf %mul3A_43, %add3A_45 : vector<16x16384xf32>
      %add3A_47 = arith.constant 1.83787704 : f32
      %add3A_48 = vector.broadcast %add3A_47 : f32 to vector<16x16384xf32>
      %add3A_49 = arith.addf %add3A_46, %add3A_48 : vector<16x16384xf32>
      %reduce_sum3A = arith.constant dense<0.000000e+00> : vector<16384xf32>
      %reduce_sum3A_50 = vector.multi_reduction <add>, %add3A_49, %reduce_sum3A [0] : vector<16x16384xf32> to vector<16384xf32>
      %broadcast_in_dim3A = vector.shape_cast %reduce_sum3A_50 : vector<16384xf32> to vector<1x16384xf32>
      %mul3A_51 = arith.constant -5.000000e-01 : f32
      %mul3A_52 = vector.broadcast %mul3A_51 : f32 to vector<1x16384xf32>
      %mul3A_53 = arith.mulf %mul3A_52, %broadcast_in_dim3A : vector<1x16384xf32>
      %get3A_54 = arith.constant 0 : index
      %get3A_55 = arith.constant 0 : index
      %get3A_56 = vector.load %arg4[%get3A_54, %get3A_55] : memref<1x16384xf32, #tpu.memory_space<vmem>>, vector<1x16384xf32>
      %add3A_57 = arith.addf %get3A_56, %mul3A_53 : vector<1x16384xf32>
      %swap3A_58 = arith.constant 0 : index
      %swap3A_59 = arith.constant 0 : index
      %swap3A_60 = vector.load %arg9[%swap3A_58, %swap3A_59] : memref<1x16384xf32, #tpu.memory_space<vmem>>, vector<1x16384xf32>
      tpu.vector_store %arg9[%swap3A_58, %swap3A_59], %add3A_57 {strides = array<i32>} : memref<1x16384xf32, #tpu.memory_space<vmem>>, vector<1x16384xf32>,
      %mul3A_61 = arith.constant 16384 : i32
      %mul3A_62 = arith.muli %arg1, %mul3A_61 : i32
      %swap3A_63 = arith.constant 0 : index
      %swap3A_64 = arith.index_cast %mul3A_62 : i32 to index
      %swap3A_65 = vector.load %arg19[%swap3A_63, %swap3A_64] : memref<1x131072xf32, #tpu.memory_space<vmem>>, vector<1x16384xf32>
      tpu.vector_store %arg19[%swap3A_63, %swap3A_64], %add3A_57 {strides = array<i32>} : memref<1x131072xf32, #tpu.memory_space<vmem>>, vector<1x16384xf32>,
      %reduce_max3A = vector.shape_cast %add3A_57 : vector<1x16384xf32> to vector<1x1x16384xf32>
      %reduce_max3A_66 = arith.constant dense<0xFF800000> : vector<1xf32>
      %reduce_max3A_67 = vector.multi_reduction <maximumf>, %reduce_max3A, %reduce_max3A_66 [1, 2] : vector<1x1x16384xf32> to vector<1xf32>
      %reduce_max3A_68 = vector.shape_cast %reduce_max3A_67 : vector<1xf32> to vector<1x1x1xf32>
      %reduce_max3A_69 = vector.extract %reduce_max3A_68[0, 0, 0] : f32 from vector<1x1x1xf32>
      %get3A_70 = arith.constant 0 : index
      %get3A_71 = arith.constant 0 : index
      %get3A_72 = memref.load %arg14[%get3A_70, %get3A_71] : memref<1x1xf32, #tpu.memory_space<smem>>
      %max3A = arith.maximumf %get3A_72, %reduce_max3A_69 : f32
      %sub3A_73 = arith.subf %get3A_72, %max3A : f32
      %exp3A = math.exp %sub3A_73 : f32
      %sub3A_74 = vector.broadcast %max3A : f32 to vector<1x16384xf32>
      %sub3A_75 = arith.subf %add3A_57, %sub3A_74 : vector<1x16384xf32>
      %exp3A_76 = math.exp %sub3A_75 : vector<1x16384xf32>
      %get3A_77 = arith.constant 0 : index
      %get3A_78 = arith.constant 0 : index
      %get3A_79 = memref.load %arg15[%get3A_77, %get3A_78] : memref<1x1xf32, #tpu.memory_space<smem>>
      %mul3A_80 = arith.mulf %get3A_79, %exp3A : f32
      %reduce_sum3A_81 = vector.shape_cast %exp3A_76 : vector<1x16384xf32> to vector<1x1x16384xf32>
      %reduce_sum3A_82 = arith.constant dense<0.000000e+00> : vector<1xf32>
      %reduce_sum3A_83 = vector.multi_reduction <add>, %reduce_sum3A_81, %reduce_sum3A_82 [1, 2] : vector<1x1x16384xf32> to vector<1xf32>
      %reduce_sum3A_84 = vector.shape_cast %reduce_sum3A_83 : vector<1xf32> to vector<1x1x1xf32>
      %reduce_sum3A_85 = vector.extract %reduce_sum3A_84[0, 0, 0] : f32 from vector<1x1x1xf32>
      %add3A_86 = arith.addf %mul3A_80, %reduce_sum3A_85 : f32
      %swap3A_87 = arith.constant 0 : index
      %swap3A_88 = arith.constant 0 : index
      %swap3A_89 = memref.load %arg15[%swap3A_87, %swap3A_88] : memref<1x1xf32, #tpu.memory_space<smem>>
      memref.store %add3A_86, %arg15[%swap3A_87, %swap3A_88] : memref<1x1xf32, #tpu.memory_space<smem>>
      %get3A_90 = arith.constant 0 : index
      %get3A_91 = arith.constant 0 : index
      %get3A_92 = vector.load %arg16[%get3A_90, %get3A_91] : memref<32x1xf32, #tpu.memory_space<vmem>>, vector<32x1xf32>
      %mul3A_93 = vector.broadcast %exp3A : f32 to vector<32x1xf32>
      %mul3A_94 = arith.mulf %get3A_92, %mul3A_93 : vector<32x1xf32>
      %mul3A_95 = vector.broadcast %exp3A_76 : vector<1x16384xf32> to vector<32x16384xf32>
      %mul3A_96 = arith.mulf %mul3A_95, %add3A : vector<32x16384xf32>
      %reduce_sum3A_97 = arith.constant dense<0.000000e+00> : vector<32xf32>
      %reduce_sum3A_98 = vector.multi_reduction <add>, %mul3A_96, %reduce_sum3A_97 [1] : vector<32x16384xf32> to vector<32xf32>
      %broadcast_in_dim3A_99 = vector.shape_cast %reduce_sum3A_98 : vector<32xf32> to vector<32x1xf32>
      %add3A_100 = arith.addf %mul3A_94, %broadcast_in_dim3A_99 : vector<32x1xf32>
      %swap3A_101 = arith.constant 0 : index
      %swap3A_102 = arith.constant 0 : index
      %swap3A_103 = vector.load %arg16[%swap3A_101, %swap3A_102] : memref<32x1xf32, #tpu.memory_space<vmem>>, vector<32x1xf32>
      tpu.vector_store %arg16[%swap3A_101, %swap3A_102], %add3A_100 {strides = array<i32>} : memref<32x1xf32, #tpu.memory_space<vmem>>, vector<32x1xf32>,
      %swap3A_104 = arith.constant 0 : index
      %swap3A_105 = arith.constant 0 : index
      %swap3A_106 = memref.load %arg14[%swap3A_104, %swap3A_105] : memref<1x1xf32, #tpu.memory_space<smem>>
      memref.store %max3A, %arg14[%swap3A_104, %swap3A_105] : memref<1x1xf32, #tpu.memory_space<smem>>
      %eq3A_107 = arith.constant 7 : i32
      %eq3A_108 = arith.cmpi eq, %arg1, %eq3A_107 : i32
      %convert_element_type3A_109 = arith.extui %eq3A_108 : i1 to i32
      %cond3A_110 = arith.constant 0 : i32
      %cond3A_111 = arith.cmpi ne, %convert_element_type3A_109, %cond3A_110 : i32
      scf.if %cond3A_111 {
        %swap3A_112 = arith.constant 0 : index
        %swap3A_113 = arith.constant 0 : index
        %swap3A_114 = memref.load %arg10[%swap3A_112, %swap3A_113] : memref<1x1xf32, #tpu.memory_space<smem>>
        memref.store %max3A, %arg10[%swap3A_112, %swap3A_113] : memref<1x1xf32, #tpu.memory_space<smem>>
        %get3A_115 = arith.constant 0 : index
        %get3A_116 = arith.constant 0 : index
        %get3A_117 = memref.load %arg15[%get3A_115, %get3A_116] : memref<1x1xf32, #tpu.memory_space<smem>>
        %swap3A_118 = arith.constant 0 : index
        %swap3A_119 = arith.constant 0 : index
        %swap3A_120 = memref.load %arg11[%swap3A_118, %swap3A_119] : memref<1x1xf32, #tpu.memory_space<smem>>
        memref.store %get3A_117, %arg11[%swap3A_118, %swap3A_119] : memref<1x1xf32, #tpu.memory_space<smem>>
        %get3A_121 = arith.constant 0 : index
        %get3A_122 = arith.constant 0 : index
        %get3A_123 = vector.load %arg16[%get3A_121, %get3A_122] : memref<32x1xf32, #tpu.memory_space<vmem>>, vector<32x1xf32>
        %div3A_124 = vector.broadcast %get3A_117 : f32 to vector<32x1xf32>
        %div3A_125 = arith.divf %get3A_123, %div3A_124 : vector<32x1xf32>
        %swap3A_126 = arith.constant 0 : index
        %swap3A_127 = arith.constant 0 : index
        %swap3A_128 = vector.load %arg12[%swap3A_126, %swap3A_127] : memref<32x1xf32, #tpu.memory_space<vmem>>, vector<32x1xf32>
        tpu.vector_store %arg12[%swap3A_126, %swap3A_127], %div3A_125 {strides = array<i32>} : memref<32x1xf32, #tpu.memory_space<vmem>>, vector<32x1xf32>,
      } else {
      }
    } else {
    }
    %eq3A_9 = arith.constant 1 : i32
    %eq3A_10 = arith.cmpi eq, %arg0, %eq3A_9 : i32
    %convert_element_type3A_11 = arith.extui %eq3A_10 : i1 to i32
    %cond3A_12 = arith.constant 0 : i32
    %cond3A_13 = arith.cmpi ne, %convert_element_type3A_11, %cond3A_12 : i32
    scf.if %cond3A_13 {
      %eq3A_14 = arith.constant 0 : i32
      %eq3A_15 = arith.cmpi eq, %arg1, %eq3A_14 : i32
      %convert_element_type3A_16 = arith.extui %eq3A_15 : i1 to i32
      %cond3A_17 = arith.constant 0 : i32
      %cond3A_18 = arith.cmpi ne, %convert_element_type3A_16, %cond3A_17 : i32
      scf.if %cond3A_18 {
        %broadcast_in_dim3A = arith.constant 0.000000e+00 : f32
        %broadcast_in_dim3A_58 = vector.broadcast %broadcast_in_dim3A : f32 to vector<32x32xf32>
        %swap3A_59 = arith.constant 0 : index
        %swap3A_60 = arith.constant 0 : index
        %swap3A_61 = vector.load %arg17[%swap3A_59, %swap3A_60] : memref<32x32xf32, #tpu.memory_space<vmem>>, vector<32x32xf32>
        tpu.vector_store %arg17[%swap3A_59, %swap3A_60], %broadcast_in_dim3A_58 {strides = array<i32>} : memref<32x32xf32, #tpu.memory_space<vmem>>, vector<32x32xf32>,
      } else {
      }
      %mul3A = arith.constant 16384 : i32
      %mul3A_19 = arith.muli %arg1, %mul3A : i32
      %get3A = arith.constant 0 : index
      %get3A_20 = arith.index_cast %mul3A_19 : i32 to index
      %get3A_21 = vector.load %arg18[%get3A, %get3A_20] : memref<32x131072xf32, #tpu.memory_space<vmem>>, vector<32x16384xf32>
      %mul3A_22 = arith.constant 16384 : i32
      %mul3A_23 = arith.muli %arg1, %mul3A_22 : i32
      %get3A_24 = arith.constant 0 : index
      %get3A_25 = arith.index_cast %mul3A_23 : i32 to index
      %get3A_26 = vector.load %arg19[%get3A_24, %get3A_25] : memref<1x131072xf32, #tpu.memory_space<vmem>>, vector<1x16384xf32>
      %get3A_27 = arith.constant 0 : index
      %get3A_28 = arith.constant 0 : index
      %get3A_29 = memref.load %arg14[%get3A_27, %get3A_28] : memref<1x1xf32, #tpu.memory_space<smem>>
      %sub3A = vector.broadcast %get3A_29 : f32 to vector<1x16384xf32>
      %sub3A_30 = arith.subf %get3A_26, %sub3A : vector<1x16384xf32>
      %exp3A = math.exp %sub3A_30 : vector<1x16384xf32>
      %get3A_31 = arith.constant 0 : index
      %get3A_32 = arith.constant 0 : index
      %get3A_33 = memref.load %arg15[%get3A_31, %get3A_32] : memref<1x1xf32, #tpu.memory_space<smem>>
      %div3A = vector.broadcast %get3A_33 : f32 to vector<1x16384xf32>
      %div3A_34 = arith.divf %exp3A, %div3A : vector<1x16384xf32>
      %get3A_35 = arith.constant 0 : index
      %get3A_36 = arith.constant 0 : index
      %get3A_37 = vector.load %arg16[%get3A_35, %get3A_36] : memref<32x1xf32, #tpu.memory_space<vmem>>, vector<32x1xf32>
      %get3A_38 = arith.constant 0 : index
      %get3A_39 = arith.constant 0 : index
      %get3A_40 = memref.load %arg15[%get3A_38, %get3A_39] : memref<1x1xf32, #tpu.memory_space<smem>>
      %div3A_41 = vector.broadcast %get3A_40 : f32 to vector<32x1xf32>
      %div3A_42 = arith.divf %get3A_37, %div3A_41 : vector<32x1xf32>
      %sub3A_43 = vector.broadcast %div3A_42 : vector<32x1xf32> to vector<32x16384xf32>
      %sub3A_44 = arith.subf %get3A_21, %sub3A_43 : vector<32x16384xf32>
      %mul3A_45 = vector.broadcast %div3A_34 : vector<1x16384xf32> to vector<32x16384xf32>
      %mul3A_46 = arith.mulf %sub3A_44, %mul3A_45 : vector<32x16384xf32>
      %get3A_47 = arith.constant 0 : index
      %get3A_48 = arith.constant 0 : index
      %get3A_49 = vector.load %arg17[%get3A_47, %get3A_48] : memref<32x32xf32, #tpu.memory_space<vmem>>, vector<32x32xf32>
      %dot_general3A = arith.constant dense<0.000000e+00> : vector<32x32xf32>
      %dot_general3A_50 = tpu.matmul %mul3A_46, %sub3A_44, %dot_general3A {dimension_numbers = #tpu.dot_dimension_numbers<[1], [1], [0], [0], [0, 0, 1, 0], [], []>, transpose_lhs_hint = false} : vector<32x16384xf32>, vector<32x16384xf32>, vector<32x32xf32> -> vector<32x32xf32>
      %add3A = arith.addf %get3A_49, %dot_general3A_50 : vector<32x32xf32>
      %swap3A = arith.constant 0 : index
      %swap3A_51 = arith.constant 0 : index
      %swap3A_52 = vector.load %arg17[%swap3A, %swap3A_51] : memref<32x32xf32, #tpu.memory_space<vmem>>, vector<32x32xf32>
      tpu.vector_store %arg17[%swap3A, %swap3A_51], %add3A {strides = array<i32>} : memref<32x32xf32, #tpu.memory_space<vmem>>, vector<32x32xf32>,
      %eq3A_53 = arith.constant 7 : i32
      %eq3A_54 = arith.cmpi eq, %arg1, %eq3A_53 : i32
      %convert_element_type3A_55 = arith.extui %eq3A_54 : i1 to i32
      %cond3A_56 = arith.constant 0 : i32
      %cond3A_57 = arith.cmpi ne, %convert_element_type3A_55, %cond3A_56 : i32
      scf.if %cond3A_57 {
        %get3A_58 = arith.constant 0 : index
        %get3A_59 = arith.constant 0 : index
        %get3A_60 = vector.load %arg17[%get3A_58, %get3A_59] : memref<32x32xf32, #tpu.memory_space<vmem>>, vector<32x32xf32>
        %swap3A_61 = arith.constant 0 : index
        %swap3A_62 = arith.constant 0 : index
        %swap3A_63 = vector.load %arg13[%swap3A_61, %swap3A_62] : memref<32x32xf32, #tpu.memory_space<vmem>>, vector<32x32xf32>
        tpu.vector_store %arg13[%swap3A_61, %swap3A_62], %get3A_60 {strides = array<i32>} : memref<32x32xf32, #tpu.memory_space<vmem>>, vector<32x32xf32>,
      } else {
      }
    } else {
    }
    return
  }
  func.func @transform_0(%arg0: i32, %arg1: i32) -> (i32, i32) {
    %sub3A = arith.constant 1 : i32
    %sub3A_0 = arith.subi %sub3A, %arg0 : i32
    %mul3A = arith.muli %arg1, %sub3A_0 : i32
    %mul3A_1 = arith.constant 7 : i32
    %mul3A_2 = arith.muli %mul3A_1, %arg0 : i32
    %add3A = arith.addi %mul3A, %mul3A_2 : i32
    %c0_i32 = arith.constant 0 : i32
    %c0_i32_3 = arith.constant 0 : i32
    return %c0_i32, %add3A : i32, i32
  }
  func.func @transform_1(%arg0: i32, %arg1: i32) -> (i32, i32) {
    %sub3A = arith.constant 1 : i32
    %sub3A_0 = arith.subi %sub3A, %arg0 : i32
    %mul3A = arith.muli %arg1, %sub3A_0 : i32
    %mul3A_1 = arith.constant 7 : i32
    %mul3A_2 = arith.muli %mul3A_1, %arg0 : i32
    %add3A = arith.addi %mul3A, %mul3A_2 : i32
    %c0_i32 = arith.constant 0 : i32
    %c0_i32_3 = arith.constant 0 : i32
    return %c0_i32, %add3A : i32, i32
  }
  func.func @transform_2(%arg0: i32, %arg1: i32) -> (i32, i32) {
    %sub3A = arith.constant 1 : i32
    %sub3A_0 = arith.subi %sub3A, %arg0 : i32
    %mul3A = arith.muli %arg1, %sub3A_0 : i32
    %mul3A_1 = arith.constant 7 : i32
    %mul3A_2 = arith.muli %mul3A_1, %arg0 : i32
    %add3A = arith.addi %mul3A, %mul3A_2 : i32
    %c0_i32 = arith.constant 0 : i32
    %c0_i32_3 = arith.constant 0 : i32
    return %c0_i32, %add3A : i32, i32
  }
  func.func @transform_3(%arg0: i32, %arg1: i32) -> (i32, i32) {
    %c0_i32 = arith.constant 0 : i32
    %c0_i32_0 = arith.constant 0 : i32
    %c0_i32_1 = arith.constant 0 : i32
    return %c0_i32, %c0_i32_0 : i32, i32
  }
  func.func @transform_4(%arg0: i32, %arg1: i32) -> (i32, i32) {
    %c0_i32 = arith.constant 0 : i32
    %c0_i32_0 = arith.constant 0 : i32
    %c0_i32_1 = arith.constant 0 : i32
    return %c0_i32, %c0_i32_0 : i32, i32
  }
  func.func @transform_5(%arg0: i32, %arg1: i32) -> (i32, i32) {
    %c0_i32 = arith.constant 0 : i32
    %c0_i32_0 = arith.constant 0 : i32
    %c0_i32_1 = arith.constant 0 : i32
    return %c0_i32, %c0_i32_0 : i32, i32
  }
  func.func @transform_6(%arg0: i32, %arg1: i32) -> (i32, i32) {
    %sub3A = arith.constant 1 : i32
    %sub3A_0 = arith.subi %sub3A, %arg0 : i32
    %mul3A = arith.muli %arg1, %sub3A_0 : i32
    %mul3A_1 = arith.constant 7 : i32
    %mul3A_2 = arith.muli %mul3A_1, %arg0 : i32
    %add3A = arith.addi %mul3A, %mul3A_2 : i32
    %c0_i32 = arith.constant 0 : i32
    %c0_i32_3 = arith.constant 0 : i32
    return %c0_i32, %add3A : i32, i32
  }
  func.func @transform_7(%arg0: i32, %arg1: i32) -> (i32, i32) {
    %sub3A = arith.constant 1 : i32
    %sub3A_0 = arith.subi %sub3A, %arg0 : i32
    %mul3A = arith.muli %arg1, %sub3A_0 : i32
    %mul3A_1 = arith.constant 7 : i32
    %mul3A_2 = arith.muli %mul3A_1, %arg0 : i32
    %add3A = arith.addi %mul3A, %mul3A_2 : i32
    %c0_i32 = arith.constant 0 : i32
    %c0_i32_3 = arith.constant 0 : i32
    return %c0_i32, %add3A : i32, i32
  }
  func.func @transform_8(%arg0: i32, %arg1: i32) -> (i32, i32) {
    %c0_i32 = arith.constant 0 : i32
    %c0_i32_0 = arith.constant 0 : i32
    %c0_i32_1 = arith.constant 0 : i32
    return %c0_i32, %c0_i32_0 : i32, i32
  }
  func.func @transform_9(%arg0: i32, %arg1: i32) -> (i32, i32) {
    %c0_i32 = arith.constant 0 : i32
    %c0_i32_0 = arith.constant 0 : i32
    %c0_i32_1 = arith.constant 0 : i32
    return %c0_i32, %c0_i32_0 : i32, i32
  }
  func.func @transform_10(%arg0: i32, %arg1: i32) -> (i32, i32) {
    %c0_i32 = arith.constant 0 : i32
    %c0_i32_0 = arith.constant 0 : i32
    %c0_i32_1 = arith.constant 0 : i32
    return %c0_i32, %c0_i32_0 : i32, i32
  }
  func.func @transform_11(%arg0: i32, %arg1: i32) -> (i32, i32) {
    %c0_i32 = arith.constant 0 : i32
    %c0_i32_0 = arith.constant 0 : i32
    %c0_i32_1 = arith.constant 0 : i32
    return %c0_i32, %c0_i32_0 : i32, i32
  }
}

module attributes {stable_mosaic.version = 14 : i64} {
  func.func @_fused_body(%arg0: i32, %arg1: i32, %arg2: memref<32x16384xf32, #tpu.memory_space<vmem>>, %arg3: memref<32x16384xf32, #tpu.memory_space<vmem>>, %arg4: memref<1x16384xf32, #tpu.memory_space<vmem>>, %arg5: memref<32x32xf32, #tpu.memory_space<vmem>>, %arg6: memref<16x32xf32, #tpu.memory_space<vmem>>, %arg7: memref<16x1xf32, #tpu.memory_space<vmem>>, %arg8: memref<32x16384xf32, #tpu.memory_space<vmem>>, %arg9: memref<1x16384xf32, #tpu.memory_space<vmem>>, %arg10: memref<1x1xf32, #tpu.memory_space<smem>>, %arg11: memref<1x1xf32, #tpu.memory_space<smem>>, %arg12: memref<32x1xf32, #tpu.memory_space<vmem>>, %arg13: memref<32x32xf32, #tpu.memory_space<vmem>>, %arg14: memref<1x1xf32, #tpu.memory_space<smem>>, %arg15: memref<1x1xf32, #tpu.memory_space<smem>>, %arg16: memref<32x1xf32, #tpu.memory_space<vmem>>, %arg17: memref<32x32xf32, #tpu.memory_space<vmem>>, %arg18: memref<32x131072xf32, #tpu.memory_space<vmem>>, %arg19: memref<1x131072xf32, #tpu.memory_space<vmem>>) attributes {dimension_semantics = [#tpu.dimension_semantics<arbitrary>, #tpu.dimension_semantics<arbitrary>], iteration_bounds = array<i64: 2, 8>, scalar_prefetch = 0 : i64, scratch_operands = 6 : i64, tpu.core_type = #tpu.core_type<tc>, window_params = [{transform_indices = @transform_0, window_bounds = array<i64: 32, 16384>}, {transform_indices = @transform_1, window_bounds = array<i64: 32, 16384>}, {transform_indices = @transform_2, window_bounds = array<i64: 1, 16384>}, {pipeline_mode = #tpu.pipeline_mode<synchronous>, transform_indices = @transform_3, window_bounds = array<i64: 32, 32>}, {pipeline_mode = #tpu.pipeline_mode<synchronous>, transform_indices = @transform_4, window_bounds = array<i64: 16, 32>}, {pipeline_mode = #tpu.pipeline_mode<synchronous>, transform_indices = @transform_5, window_bounds = array<i64: 16, 1>}, {transform_indices = @transform_6, window_bounds = array<i64: 32, 16384>}, {transform_indices = @transform_7, window_bounds = array<i64: 1, 16384>}, {transform_indices = @transform_8, window_bounds = array<i64: 1, 1>}, {transform_indices = @transform_9, window_bounds = array<i64: 1, 1>}, {pipeline_mode = #tpu.pipeline_mode<synchronous>, transform_indices = @transform_10, window_bounds = array<i64: 32, 1>}, {pipeline_mode = #tpu.pipeline_mode<synchronous>, transform_indices = @transform_11, window_bounds = array<i64: 32, 32>}]} {
    %eq3A = arith.constant 0 : i32
    %eq3A_0 = arith.cmpi eq, %arg0, %eq3A : i32
    %eq3A_1 = arith.constant 0 : i32
    %eq3A_2 = arith.cmpi eq, %arg1, %eq3A_1 : i32
    %and3A = arith.andi %eq3A_0, %eq3A_2 : i1
    %convert_element_type3A = arith.extui %and3A : i1 to i32
    %cond3A = arith.constant 0 : i32
    %cond3A_3 = arith.cmpi ne, %convert_element_type3A, %cond3A : i32
    scf.if %cond3A_3 {
      %swap3A = arith.constant 0xFF800000 : f32
      %swap3A_14 = arith.constant 0 : index
      %swap3A_15 = arith.constant 0 : index
      %swap3A_16 = memref.load %arg14[%swap3A_14, %swap3A_15] : memref<1x1xf32, #tpu.memory_space<smem>>
      memref.store %swap3A, %arg14[%swap3A_14, %swap3A_15] : memref<1x1xf32, #tpu.memory_space<smem>>
      %swap3A_17 = arith.constant 0.000000e+00 : f32
      %swap3A_18 = arith.constant 0 : index
      %swap3A_19 = arith.constant 0 : index
      %swap3A_20 = memref.load %arg15[%swap3A_18, %swap3A_19] : memref<1x1xf32, #tpu.memory_space<smem>>
      memref.store %swap3A_17, %arg15[%swap3A_18, %swap3A_19] : memref<1x1xf32, #tpu.memory_space<smem>>
      %broadcast_in_dim3A = arith.constant 0.000000e+00 : f32
      %broadcast_in_dim3A_21 = vector.broadcast %broadcast_in_dim3A : f32 to vector<32x1xf32>
      %swap3A_22 = arith.constant 0 : index
      %swap3A_23 = arith.constant 0 : index
      %swap3A_24 = vector.load %arg16[%swap3A_22, %swap3A_23] : memref<32x1xf32, #tpu.memory_space<vmem>>, vector<32x1xf32>
      tpu.vector_store %arg16[%swap3A_22, %swap3A_23], %broadcast_in_dim3A_21 {strides = array<i32>} : memref<32x1xf32, #tpu.memory_space<vmem>>, vector<32x1xf32>,
    } else {
    }
    %eq3A_4 = arith.constant 0 : i32
    %eq3A_5 = arith.cmpi eq, %arg0, %eq3A_4 : i32
    %convert_element_type3A_6 = arith.extui %eq3A_5 : i1 to i32
    %cond3A_7 = arith.constant 0 : i32
    %cond3A_8 = arith.cmpi ne, %convert_element_type3A_6, %cond3A_7 : i32
    scf.if %cond3A_8 {
      %get3A = arith.constant 0 : index
      %get3A_14 = arith.constant 0 : index
      %get3A_15 = vector.load %arg5[%get3A, %get3A_14] : memref<32x32xf32, #tpu.memory_space<vmem>>, vector<32x32xf32>
      %get3A_16 = arith.constant 0 : index
      %get3A_17 = arith.constant 0 : index
      %get3A_18 = vector.load %arg2[%get3A_16, %get3A_17] : memref<32x16384xf32, #tpu.memory_space<vmem>>, vector<32x16384xf32>
      %dot_general3A = arith.constant dense<0.000000e+00> : vector<32x16384xf32>
      %dot_general3A_19 = tpu.matmul %get3A_15, %get3A_18, %dot_general3A {dimension_numbers = #tpu.dot_dimension_numbers<[1], [0], [0], [1], [0, 0, 1, 1], [], []>, transpose_lhs_hint = false} : vector<32x32xf32>, vector<32x16384xf32>, vector<32x16384xf32> -> vector<32x16384xf32>
      %get3A_20 = arith.constant 0 : index
      %get3A_21 = arith.constant 0 : index
      %get3A_22 = vector.load %arg3[%get3A_20, %get3A_21] : memref<32x16384xf32, #tpu.memory_space<vmem>>, vector<32x16384xf32>
      %mul3A = arith.constant 1.000000e-01 : f32
      %mul3A_23 = vector.broadcast %mul3A : f32 to vector<32x16384xf32>
      %mul3A_24 = arith.mulf %mul3A_23, %get3A_22 : vector<32x16384xf32>
      %add3A = arith.addf %dot_general3A_19, %mul3A_24 : vector<32x16384xf32>
      %swap3A = arith.constant 0 : index
      %swap3A_25 = arith.constant 0 : index
      %swap3A_26 = vector.load %arg8[%swap3A, %swap3A_25] : memref<32x16384xf32, #tpu.memory_space<vmem>>, vector<32x16384xf32>
      tpu.vector_store %arg8[%swap3A, %swap3A_25], %add3A {strides = array<i32>} : memref<32x16384xf32, #tpu.memory_space<vmem>>, vector<32x16384xf32>,
      %mul3A_27 = arith.constant 16384 : i32
      %mul3A_28 = arith.muli %arg1, %mul3A_27 : i32
      %swap3A_29 = arith.constant 0 : index
      %swap3A_30 = arith.index_cast %mul3A_28 : i32 to index
      %swap3A_31 = vector.load %arg18[%swap3A_29, %swap3A_30] : memref<32x131072xf32, #tpu.memory_space<vmem>>, vector<32x16384xf32>
      tpu.vector_store %arg18[%swap3A_29, %swap3A_30], %add3A {strides = array<i32>} : memref<32x131072xf32, #tpu.memory_space<vmem>>, vector<32x16384xf32>,
      %get3A_32 = arith.constant 0 : index
      %get3A_33 = arith.constant 0 : index
      %get3A_34 = vector.load %arg6[%get3A_32, %get3A_33] : memref<16x32xf32, #tpu.memory_space<vmem>>, vector<16x32xf32>
      %dot_general3A_35 = arith.constant dense<0.000000e+00> : vector<16x16384xf32>
      %dot_general3A_36 = tpu.matmul %get3A_34, %add3A, %dot_general3A_35 {dimension_numbers = #tpu.dot_dimension_numbers<[1], [0], [0], [1], [0, 0, 1, 1], [], []>, transpose_lhs_hint = false} : vector<16x32xf32>, vector<32x16384xf32>, vector<16x16384xf32> -> vector<16x16384xf32>
      %get3A_37 = arith.constant 0 : index
      %get3A_38 = arith.constant 0 : index
      %get3A_39 = vector.load %arg7[%get3A_37, %get3A_38] : memref<16x1xf32, #tpu.memory_space<vmem>>, vector<16x1xf32>
      %sub3A = vector.broadcast %get3A_39 : vector<16x1xf32> to vector<16x16384xf32>
      %sub3A_40 = arith.subf %sub3A, %dot_general3A_36 : vector<16x16384xf32>
      %div3A = arith.constant 1.000000e-01 : f32
      %div3A_41 = vector.broadcast %div3A : f32 to vector<16x16384xf32>
      %div3A_42 = arith.divf %sub3A_40, %div3A_41 : vector<16x16384xf32>
      %mul3A_43 = arith.mulf %div3A_42, %div3A_42 : vector<16x16384xf32>
      %add3A_44 = arith.constant -4.60517025 : f32
      %add3A_45 = vector.broadcast %add3A_44 : f32 to vector<16x16384xf32>
      %add3A_46 = arith.addf %mul3A_43, %add3A_45 : vector<16x16384xf32>
      %add3A_47 = arith.constant 1.83787704 : f32
      %add3A_48 = vector.broadcast %add3A_47 : f32 to vector<16x16384xf32>
      %add3A_49 = arith.addf %add3A_46, %add3A_48 : vector<16x16384xf32>
      %reduce_sum3A = arith.constant dense<0.000000e+00> : vector<16384xf32>
      %reduce_sum3A_50 = vector.multi_reduction <add>, %add3A_49, %reduce_sum3A [0] : vector<16x16384xf32> to vector<16384xf32>
      %broadcast_in_dim3A = vector.shape_cast %reduce_sum3A_50 : vector<16384xf32> to vector<1x16384xf32>
      %mul3A_51 = arith.constant -5.000000e-01 : f32
      %mul3A_52 = vector.broadcast %mul3A_51 : f32 to vector<1x16384xf32>
      %mul3A_53 = arith.mulf %mul3A_52, %broadcast_in_dim3A : vector<1x16384xf32>
      %get3A_54 = arith.constant 0 : index
      %get3A_55 = arith.constant 0 : index
      %get3A_56 = vector.load %arg4[%get3A_54, %get3A_55] : memref<1x16384xf32, #tpu.memory_space<vmem>>, vector<1x16384xf32>
      %add3A_57 = arith.addf %get3A_56, %mul3A_53 : vector<1x16384xf32>
      %swap3A_58 = arith.constant 0 : index
      %swap3A_59 = arith.constant 0 : index
      %swap3A_60 = vector.load %arg9[%swap3A_58, %swap3A_59] : memref<1x16384xf32, #tpu.memory_space<vmem>>, vector<1x16384xf32>
      tpu.vector_store %arg9[%swap3A_58, %swap3A_59], %add3A_57 {strides = array<i32>} : memref<1x16384xf32, #tpu.memory_space<vmem>>, vector<1x16384xf32>,
      %mul3A_61 = arith.constant 16384 : i32
      %mul3A_62 = arith.muli %arg1, %mul3A_61 : i32
      %swap3A_63 = arith.constant 0 : index
      %swap3A_64 = arith.index_cast %mul3A_62 : i32 to index
      %swap3A_65 = vector.load %arg19[%swap3A_63, %swap3A_64] : memref<1x131072xf32, #tpu.memory_space<vmem>>, vector<1x16384xf32>
      tpu.vector_store %arg19[%swap3A_63, %swap3A_64], %add3A_57 {strides = array<i32>} : memref<1x131072xf32, #tpu.memory_space<vmem>>, vector<1x16384xf32>,
      %reduce_max3A = vector.shape_cast %add3A_57 : vector<1x16384xf32> to vector<1x1x16384xf32>
      %reduce_max3A_66 = arith.constant dense<0xFF800000> : vector<1xf32>
      %reduce_max3A_67 = vector.multi_reduction <maximumf>, %reduce_max3A, %reduce_max3A_66 [1, 2] : vector<1x1x16384xf32> to vector<1xf32>
      %reduce_max3A_68 = vector.shape_cast %reduce_max3A_67 : vector<1xf32> to vector<1x1x1xf32>
      %reduce_max3A_69 = vector.extract %reduce_max3A_68[0, 0, 0] : f32 from vector<1x1x1xf32>
      %get3A_70 = arith.constant 0 : index
      %get3A_71 = arith.constant 0 : index
      %get3A_72 = memref.load %arg14[%get3A_70, %get3A_71] : memref<1x1xf32, #tpu.memory_space<smem>>
      %max3A = arith.maximumf %get3A_72, %reduce_max3A_69 : f32
      %sub3A_73 = arith.subf %get3A_72, %max3A : f32
      %exp3A = math.exp %sub3A_73 : f32
      %sub3A_74 = vector.broadcast %max3A : f32 to vector<1x16384xf32>
      %sub3A_75 = arith.subf %add3A_57, %sub3A_74 : vector<1x16384xf32>
      %exp3A_76 = math.exp %sub3A_75 : vector<1x16384xf32>
      %get3A_77 = arith.constant 0 : index
      %get3A_78 = arith.constant 0 : index
      %get3A_79 = memref.load %arg15[%get3A_77, %get3A_78] : memref<1x1xf32, #tpu.memory_space<smem>>
      %mul3A_80 = arith.mulf %get3A_79, %exp3A : f32
      %reduce_sum3A_81 = vector.shape_cast %exp3A_76 : vector<1x16384xf32> to vector<1x1x16384xf32>
      %reduce_sum3A_82 = arith.constant dense<0.000000e+00> : vector<1xf32>
      %reduce_sum3A_83 = vector.multi_reduction <add>, %reduce_sum3A_81, %reduce_sum3A_82 [1, 2] : vector<1x1x16384xf32> to vector<1xf32>
      %reduce_sum3A_84 = vector.shape_cast %reduce_sum3A_83 : vector<1xf32> to vector<1x1x1xf32>
      %reduce_sum3A_85 = vector.extract %reduce_sum3A_84[0, 0, 0] : f32 from vector<1x1x1xf32>
      %add3A_86 = arith.addf %mul3A_80, %reduce_sum3A_85 : f32
      %swap3A_87 = arith.constant 0 : index
      %swap3A_88 = arith.constant 0 : index
      %swap3A_89 = memref.load %arg15[%swap3A_87, %swap3A_88] : memref<1x1xf32, #tpu.memory_space<smem>>
      memref.store %add3A_86, %arg15[%swap3A_87, %swap3A_88] : memref<1x1xf32, #tpu.memory_space<smem>>
      %get3A_90 = arith.constant 0 : index
      %get3A_91 = arith.constant 0 : index
      %get3A_92 = vector.load %arg16[%get3A_90, %get3A_91] : memref<32x1xf32, #tpu.memory_space<vmem>>, vector<32x1xf32>
      %mul3A_93 = vector.broadcast %exp3A : f32 to vector<32x1xf32>
      %mul3A_94 = arith.mulf %get3A_92, %mul3A_93 : vector<32x1xf32>
      %mul3A_95 = vector.broadcast %exp3A_76 : vector<1x16384xf32> to vector<32x16384xf32>
      %mul3A_96 = arith.mulf %mul3A_95, %add3A : vector<32x16384xf32>
      %reduce_sum3A_97 = arith.constant dense<0.000000e+00> : vector<32xf32>
      %reduce_sum3A_98 = vector.multi_reduction <add>, %mul3A_96, %reduce_sum3A_97 [1] : vector<32x16384xf32> to vector<32xf32>
      %broadcast_in_dim3A_99 = vector.shape_cast %reduce_sum3A_98 : vector<32xf32> to vector<32x1xf32>
      %add3A_100 = arith.addf %mul3A_94, %broadcast_in_dim3A_99 : vector<32x1xf32>
      %swap3A_101 = arith.constant 0 : index
      %swap3A_102 = arith.constant 0 : index
      %swap3A_103 = vector.load %arg16[%swap3A_101, %swap3A_102] : memref<32x1xf32, #tpu.memory_space<vmem>>, vector<32x1xf32>
      tpu.vector_store %arg16[%swap3A_101, %swap3A_102], %add3A_100 {strides = array<i32>} : memref<32x1xf32, #tpu.memory_space<vmem>>, vector<32x1xf32>,
      %swap3A_104 = arith.constant 0 : index
      %swap3A_105 = arith.constant 0 : index
      %swap3A_106 = memref.load %arg14[%swap3A_104, %swap3A_105] : memref<1x1xf32, #tpu.memory_space<smem>>
      memref.store %max3A, %arg14[%swap3A_104, %swap3A_105] : memref<1x1xf32, #tpu.memory_space<smem>>
      %eq3A_107 = arith.constant 7 : i32
      %eq3A_108 = arith.cmpi eq, %arg1, %eq3A_107 : i32
      %convert_element_type3A_109 = arith.extui %eq3A_108 : i1 to i32
      %cond3A_110 = arith.constant 0 : i32
      %cond3A_111 = arith.cmpi ne, %convert_element_type3A_109, %cond3A_110 : i32
      scf.if %cond3A_111 {
        %swap3A_112 = arith.constant 0 : index
        %swap3A_113 = arith.constant 0 : index
        %swap3A_114 = memref.load %arg10[%swap3A_112, %swap3A_113] : memref<1x1xf32, #tpu.memory_space<smem>>
        memref.store %max3A, %arg10[%swap3A_112, %swap3A_113] : memref<1x1xf32, #tpu.memory_space<smem>>
        %get3A_115 = arith.constant 0 : index
        %get3A_116 = arith.constant 0 : index
        %get3A_117 = memref.load %arg15[%get3A_115, %get3A_116] : memref<1x1xf32, #tpu.memory_space<smem>>
        %swap3A_118 = arith.constant 0 : index
        %swap3A_119 = arith.constant 0 : index
        %swap3A_120 = memref.load %arg11[%swap3A_118, %swap3A_119] : memref<1x1xf32, #tpu.memory_space<smem>>
        memref.store %get3A_117, %arg11[%swap3A_118, %swap3A_119] : memref<1x1xf32, #tpu.memory_space<smem>>
        %get3A_121 = arith.constant 0 : index
        %get3A_122 = arith.constant 0 : index
        %get3A_123 = vector.load %arg16[%get3A_121, %get3A_122] : memref<32x1xf32, #tpu.memory_space<vmem>>, vector<32x1xf32>
        %div3A_124 = vector.broadcast %get3A_117 : f32 to vector<32x1xf32>
        %div3A_125 = arith.divf %get3A_123, %div3A_124 : vector<32x1xf32>
        %swap3A_126 = arith.constant 0 : index
        %swap3A_127 = arith.constant 0 : index
        %swap3A_128 = vector.load %arg12[%swap3A_126, %swap3A_127] : memref<32x1xf32, #tpu.memory_space<vmem>>, vector<32x1xf32>
        tpu.vector_store %arg12[%swap3A_126, %swap3A_127], %div3A_125 {strides = array<i32>} : memref<32x1xf32, #tpu.memory_space<vmem>>, vector<32x1xf32>,
      } else {
      }
    } else {
    }
    %eq3A_9 = arith.constant 1 : i32
    %eq3A_10 = arith.cmpi eq, %arg0, %eq3A_9 : i32
    %convert_element_type3A_11 = arith.extui %eq3A_10 : i1 to i32
    %cond3A_12 = arith.constant 0 : i32
    %cond3A_13 = arith.cmpi ne, %convert_element_type3A_11, %cond3A_12 : i32
    scf.if %cond3A_13 {
      %eq3A_14 = arith.constant 0 : i32
      %eq3A_15 = arith.cmpi eq, %arg1, %eq3A_14 : i32
      %convert_element_type3A_16 = arith.extui %eq3A_15 : i1 to i32
      %cond3A_17 = arith.constant 0 : i32
      %cond3A_18 = arith.cmpi ne, %convert_element_type3A_16, %cond3A_17 : i32
      scf.if %cond3A_18 {
        %broadcast_in_dim3A = arith.constant 0.000000e+00 : f32
        %broadcast_in_dim3A_58 = vector.broadcast %broadcast_in_dim3A : f32 to vector<32x32xf32>
        %swap3A_59 = arith.constant 0 : index
        %swap3A_60 = arith.constant 0 : index
        %swap3A_61 = vector.load %arg17[%swap3A_59, %swap3A_60] : memref<32x32xf32, #tpu.memory_space<vmem>>, vector<32x32xf32>
        tpu.vector_store %arg17[%swap3A_59, %swap3A_60], %broadcast_in_dim3A_58 {strides = array<i32>} : memref<32x32xf32, #tpu.memory_space<vmem>>, vector<32x32xf32>,
      } else {
      }
      %mul3A = arith.constant 16384 : i32
      %mul3A_19 = arith.muli %arg1, %mul3A : i32
      %get3A = arith.constant 0 : index
      %get3A_20 = arith.index_cast %mul3A_19 : i32 to index
      %get3A_21 = vector.load %arg18[%get3A, %get3A_20] : memref<32x131072xf32, #tpu.memory_space<vmem>>, vector<32x16384xf32>
      %mul3A_22 = arith.constant 16384 : i32
      %mul3A_23 = arith.muli %arg1, %mul3A_22 : i32
      %get3A_24 = arith.constant 0 : index
      %get3A_25 = arith.index_cast %mul3A_23 : i32 to index
      %get3A_26 = vector.load %arg19[%get3A_24, %get3A_25] : memref<1x131072xf32, #tpu.memory_space<vmem>>, vector<1x16384xf32>
      %get3A_27 = arith.constant 0 : index
      %get3A_28 = arith.constant 0 : index
      %get3A_29 = memref.load %arg14[%get3A_27, %get3A_28] : memref<1x1xf32, #tpu.memory_space<smem>>
      %sub3A = vector.broadcast %get3A_29 : f32 to vector<1x16384xf32>
      %sub3A_30 = arith.subf %get3A_26, %sub3A : vector<1x16384xf32>
      %exp3A = math.exp %sub3A_30 : vector<1x16384xf32>
      %get3A_31 = arith.constant 0 : index
      %get3A_32 = arith.constant 0 : index
      %get3A_33 = memref.load %arg15[%get3A_31, %get3A_32] : memref<1x1xf32, #tpu.memory_space<smem>>
      %div3A = vector.broadcast %get3A_33 : f32 to vector<1x16384xf32>
      %div3A_34 = arith.divf %exp3A, %div3A : vector<1x16384xf32>
      %get3A_35 = arith.constant 0 : index
      %get3A_36 = arith.constant 0 : index
      %get3A_37 = vector.load %arg16[%get3A_35, %get3A_36] : memref<32x1xf32, #tpu.memory_space<vmem>>, vector<32x1xf32>
      %get3A_38 = arith.constant 0 : index
      %get3A_39 = arith.constant 0 : index
      %get3A_40 = memref.load %arg15[%get3A_38, %get3A_39] : memref<1x1xf32, #tpu.memory_space<smem>>
      %div3A_41 = vector.broadcast %get3A_40 : f32 to vector<32x1xf32>
      %div3A_42 = arith.divf %get3A_37, %div3A_41 : vector<32x1xf32>
      %sub3A_43 = vector.broadcast %div3A_42 : vector<32x1xf32> to vector<32x16384xf32>
      %sub3A_44 = arith.subf %get3A_21, %sub3A_43 : vector<32x16384xf32>
      %mul3A_45 = vector.broadcast %div3A_34 : vector<1x16384xf32> to vector<32x16384xf32>
      %mul3A_46 = arith.mulf %sub3A_44, %mul3A_45 : vector<32x16384xf32>
      %get3A_47 = arith.constant 0 : index
      %get3A_48 = arith.constant 0 : index
      %get3A_49 = vector.load %arg17[%get3A_47, %get3A_48] : memref<32x32xf32, #tpu.memory_space<vmem>>, vector<32x32xf32>
      %dot_general3A = arith.constant dense<0.000000e+00> : vector<32x32xf32>
      %dot_general3A_50 = tpu.matmul %mul3A_46, %sub3A_44, %dot_general3A {dimension_numbers = #tpu.dot_dimension_numbers<[1], [1], [0], [0], [0, 0, 1, 0], [], []>, transpose_lhs_hint = false} : vector<32x16384xf32>, vector<32x16384xf32>, vector<32x32xf32> -> vector<32x32xf32>
      %add3A = arith.addf %get3A_49, %dot_general3A_50 : vector<32x32xf32>
      %swap3A = arith.constant 0 : index
      %swap3A_51 = arith.constant 0 : index
      %swap3A_52 = vector.load %arg17[%swap3A, %swap3A_51] : memref<32x32xf32, #tpu.memory_space<vmem>>, vector<32x32xf32>
      tpu.vector_store %arg17[%swap3A, %swap3A_51], %add3A {strides = array<i32>} : memref<32x32xf32, #tpu.memory_space<vmem>>, vector<32x32xf32>,
      %eq3A_53 = arith.constant 7 : i32
      %eq3A_54 = arith.cmpi eq, %arg1, %eq3A_53 : i32
      %convert_element_type3A_55 = arith.extui %eq3A_54 : i1 to i32
      %cond3A_56 = arith.constant 0 : i32
      %cond3A_57 = arith.cmpi ne, %convert_element_type3A_55, %cond3A_56 : i32
      scf.if %cond3A_57 {
        %get3A_58 = arith.constant 0 : index
        %get3A_59 = arith.constant 0 : index
        %get3A_60 = vector.load %arg17[%get3A_58, %get3A_59] : memref<32x32xf32, #tpu.memory_space<vmem>>, vector<32x32xf32>
        %swap3A_61 = arith.constant 0 : index
        %swap3A_62 = arith.constant 0 : index
        %swap3A_63 = vector.load %arg13[%swap3A_61, %swap3A_62] : memref<32x32xf32, #tpu.memory_space<vmem>>, vector<32x32xf32>
        tpu.vector_store %arg13[%swap3A_61, %swap3A_62], %get3A_60 {strides = array<i32>} : memref<32x32xf32, #tpu.memory_space<vmem>>, vector<32x32xf32>,
      } else {
      }
    } else {
    }
    return
  }
  func.func @transform_0(%arg0: i32, %arg1: i32) -> (i32, i32) {
    %sub3A = arith.constant 1 : i32
    %sub3A_0 = arith.subi %sub3A, %arg0 : i32
    %mul3A = arith.muli %arg1, %sub3A_0 : i32
    %mul3A_1 = arith.constant 7 : i32
    %mul3A_2 = arith.muli %mul3A_1, %arg0 : i32
    %add3A = arith.addi %mul3A, %mul3A_2 : i32
    %c0_i32 = arith.constant 0 : i32
    %c0_i32_3 = arith.constant 0 : i32
    return %c0_i32, %add3A : i32, i32
  }
  func.func @transform_1(%arg0: i32, %arg1: i32) -> (i32, i32) {
    %sub3A = arith.constant 1 : i32
    %sub3A_0 = arith.subi %sub3A, %arg0 : i32
    %mul3A = arith.muli %arg1, %sub3A_0 : i32
    %mul3A_1 = arith.constant 7 : i32
    %mul3A_2 = arith.muli %mul3A_1, %arg0 : i32
    %add3A = arith.addi %mul3A, %mul3A_2 : i32
    %c0_i32 = arith.constant 0 : i32
    %c0_i32_3 = arith.constant 0 : i32
    return %c0_i32, %add3A : i32, i32
  }
  func.func @transform_2(%arg0: i32, %arg1: i32) -> (i32, i32) {
    %sub3A = arith.constant 1 : i32
    %sub3A_0 = arith.subi %sub3A, %arg0 : i32
    %mul3A = arith.muli %arg1, %sub3A_0 : i32
    %mul3A_1 = arith.constant 7 : i32
    %mul3A_2 = arith.muli %mul3A_1, %arg0 : i32
    %add3A = arith.addi %mul3A, %mul3A_2 : i32
    %c0_i32 = arith.constant 0 : i32
    %c0_i32_3 = arith.constant 0 : i32
    return %c0_i32, %add3A : i32, i32
  }
  func.func @transform_3(%arg0: i32, %arg1: i32) -> (i32, i32) {
    %c0_i32 = arith.constant 0 : i32
    %c0_i32_0 = arith.constant 0 : i32
    %c0_i32_1 = arith.constant 0 : i32
    return %c0_i32, %c0_i32_0 : i32, i32
  }
  func.func @transform_4(%arg0: i32, %arg1: i32) -> (i32, i32) {
    %c0_i32 = arith.constant 0 : i32
    %c0_i32_0 = arith.constant 0 : i32
    %c0_i32_1 = arith.constant 0 : i32
    return %c0_i32, %c0_i32_0 : i32, i32
  }
  func.func @transform_5(%arg0: i32, %arg1: i32) -> (i32, i32) {
    %c0_i32 = arith.constant 0 : i32
    %c0_i32_0 = arith.constant 0 : i32
    %c0_i32_1 = arith.constant 0 : i32
    return %c0_i32, %c0_i32_0 : i32, i32
  }
  func.func @transform_6(%arg0: i32, %arg1: i32) -> (i32, i32) {
    %sub3A = arith.constant 1 : i32
    %sub3A_0 = arith.subi %sub3A, %arg0 : i32
    %mul3A = arith.muli %arg1, %sub3A_0 : i32
    %mul3A_1 = arith.constant 7 : i32
    %mul3A_2 = arith.muli %mul3A_1, %arg0 : i32
    %add3A = arith.addi %mul3A, %mul3A_2 : i32
    %c0_i32 = arith.constant 0 : i32
    %c0_i32_3 = arith.constant 0 : i32
    return %c0_i32, %add3A : i32, i32
  }
  func.func @transform_7(%arg0: i32, %arg1: i32) -> (i32, i32) {
    %sub3A = arith.constant 1 : i32
    %sub3A_0 = arith.subi %sub3A, %arg0 : i32
    %mul3A = arith.muli %arg1, %sub3A_0 : i32
    %mul3A_1 = arith.constant 7 : i32
    %mul3A_2 = arith.muli %mul3A_1, %arg0 : i32
    %add3A = arith.addi %mul3A, %mul3A_2 : i32
    %c0_i32 = arith.constant 0 : i32
    %c0_i32_3 = arith.constant 0 : i32
    return %c0_i32, %add3A : i32, i32
  }
  func.func @transform_8(%arg0: i32, %arg1: i32) -> (i32, i32) {
    %c0_i32 = arith.constant 0 : i32
    %c0_i32_0 = arith.constant 0 : i32
    %c0_i32_1 = arith.constant 0 : i32
    return %c0_i32, %c0_i32_0 : i32, i32
  }
  func.func @transform_9(%arg0: i32, %arg1: i32) -> (i32, i32) {
    %c0_i32 = arith.constant 0 : i32
    %c0_i32_0 = arith.constant 0 : i32
    %c0_i32_1 = arith.constant 0 : i32
    return %c0_i32, %c0_i32_0 : i32, i32
  }
  func.func @transform_10(%arg0: i32, %arg1: i32) -> (i32, i32) {
    %c0_i32 = arith.constant 0 : i32
    %c0_i32_0 = arith.constant 0 : i32
    %c0_i32_1 = arith.constant 0 : i32
    return %c0_i32, %c0_i32_0 : i32, i32
  }
  func.func @transform_11(%arg0: i32, %arg1: i32) -> (i32, i32) {
    %c0_i32 = arith.constant 0 : i32
    %c0_i32_0 = arith.constant 0 : i32
    %c0_i32_1 = arith.constant 0 : i32
    return %c0_i32, %c0_i32_0 : i32, i32
  }
}

</mosaic_0001>

<sc_bundles>
// kernel: gather_offload_async_start
scs
__scs_entry_jumppad:
0x0: {  	(pc) =	sbr.rel $0x88, $3  }
0x1: {  	(tag) =	ssettag $0x0;
	lr =	simm.s32 $0x1  }
0x2: {  	[smem:$0x3F9B] =	sst lr;
	_ =	strace $0xD0000000  }
0x3: {  	_ = 	snop  }
0x4: {  	_ = 	snop  }
0x5: {  	_ = 	snop  }
0x6: {  	_ = 	snop  }
0x7: {  	_ = 	snop  }
__scs_overlays_trampoline_lowered:
0x8: {  	[smem:$0x3FAA] =	sst s0  }
0x9: {  	[smem:$0x3FAB] =	sst s1  }
0xa: {  	[smem:$0x3FAC] =	sst s2  }
0xb: {  	[smem:$0x3FAD] =	sst s3  }
0xc: {  	[smem:$0x3FAE] =	sst s4  }
0xd: {  	[smem:$0x3FAF] =	sst s5  }
0xe: {  	[smem:$0x3FB0] =	sst s6  }
0xf: {  	[smem:$0x3FB1] =	sst s7  }
0x10: {  	[smem:$0x3FB2] =	sst s8  }
0x11: {  	[smem:$0x3FB3] =	sst s9;
	s0 =	simm.s32 @!p0 $0x0  }
0x12: {  	s1 =	sld [smem:$0x3F99];
	s0 =	simm.s32 @p0 $0x1  }
0x13: {  	[smem:$0x3FB4] =	sst s0;
	s0 =	simm.s32 @!p1 $0x0  }
0x14: {  	s2 =	sld [smem:$0x3F98];
	s0 =	simm.s32 @p1 $0x1  }
0x15: {  	[smem:$0x3FB5] =	sst s0;
	s0 =	simm.s32 @!p2 $0x0  }
0x16: {  	s3 =	sld [smem:$0x3FDB];
	s0 =	simm.s32 @p2 $0x1  }
0x17: {  	s4 =	simm.s32 $0x1BF5;
	[smem:$0x3FB7] =	sst s0  }
0x18: {  	s0 =	sld [smem:$0x3F9A];
	_ =	swait.ge [sflag:s4], $0x0  }
0x19: {  	s7 =	sld [smem:$0x3F9B]  }
0x1a: {  	s8 =	sadd.s32 $0xFFFFE003, lr  }
0x1b: {  	s9 =	sadd.s32 $0xFFFFFEF7, lr;
	s5 =	simm.s32 $0xFFFFFFFF;
	p2 =	slt.u32 s8, $0xFFFFF086  }
0x1c: {  	p1 =	slt.u32 s9, $0xF7A;
	s5 =	simm.s32 @!p2 $0x0  }
0x1d: {  	s5 =	simm.s32 @p1 $0x1;
	p0 =	seq.s32 s7, s2  }
0x1e: {  	s7 =	smul.u32 @!p0 $0xF7A, s2;
	p2 =	seq.s32 @!p0 s5, $0x0  }
0x1f: {  	s9 =	smul.u32 $0xF7A, s1;
	s8 =	simm.s32 @!p0 $0x1BF5;
	p2 =	por !p2, p0  }
0x20: {  	[sflag:s8] =	ssyncset.s32 @!p0 $0xFFFFF086;
	s6 =	sadd.s32 @!p0 s3, s7;
	s7 =	simm.s32 @!p0 $0x108  }
0x21: {  	s3 =	sadd.s32 s3, s9;
	s6 =	sadd.s32 @!p0 $0x88, s6;
	s7 =	simm.s32 @p2 $0x1082  }
0x22: {  	[simem:s7], [sflag:s8] =	dma.local @!p0 [hbm:s6], $0xF7A  }
0x23: {  	s9 =	sor.u32 $0xD0000000, s2;
	s6 =	simm.s32 $0x108;
	_ =	swait.ge @!p0 [sflag:s8], $0x0  }
0x24: {  	s3 =	sadd.s32 $0x88, s3;
	s6 =	simm.s32 @!p1 $0x1082;
	[sflag:s4] =	ssyncset.s32 $0xFFFFF086  }
0x25: {  	[simem:s6], [sflag:s4] =	dma.local [hbm:s3], $0xF7A  }
0x26: {  	[smem:$0x3F9B] =	sst s1;
	(tag) =	ssettag s2;
	_ =	strace s9  }
0x27: {  	s1 =	sld [smem:$0x3FAB]  }
0x28: {  	s2 =	sld [smem:$0x3FAC]  }
0x29: {  	s4 =	sld [smem:$0x3FAE]  }
0x2a: {  	p0 =	seq.s32 s5, $0x0;
	s5 =	sld [smem:$0x3FAF]  }
0x2b: {  	s6 =	sld [smem:$0x3FB0]  }
0x2c: {  	s7 =	sld [smem:$0x3FB1]  }
0x2d: {  	s3 =	simm.s32 $0x108;
	s8 =	sld [smem:$0x3FB2]  }
0x2e: {  	s3 =	simm.s32 @!p0 $0x1082;
	s9 =	sld [smem:$0x3FB3]  }
0x2f: {  	lr =	sadd.s32 s0, s3;
	s0 =	sld [smem:$0x3FAA]  }
0x30: {  	s3 =	sld [smem:$0x3FAD]  }
0x31: {  	[smem:$0x3FB6] =	sst s10  }
0x32: {  	s10 =	sld [smem:$0x3FB4];
	_ =	sdelay $0x3  }
0x33: {  	p0 =	seq.s32 s10, $0x1;
	s10 =	sld [smem:$0x3FB6];
	_ =	sdelay $0x3  }
0x34: {  	[smem:$0x3FB6] =	sst s10  }
0x35: {  	s10 =	sld [smem:$0x3FB5];
	_ =	sdelay $0x3  }
0x36: {  	p1 =	seq.s32 s10, $0x1;
	s10 =	sld [smem:$0x3FB6];
	_ =	sdelay $0x3  }
0x37: {  	[smem:$0x3FB6] =	sst s10  }
0x38: {  	s10 =	sld [smem:$0x3FB7]  }
0x39: {  	_ = 	snop;
	(pc) =	sbr.ind lr, $3  }
0x3a: {  	_ = 	snop  }
0x3b: {  	_ = 	snop  }
0x3c: {  	p2 =	seq.s32 s10, $0x1;
	s10 =	sld [smem:$0x3FB6]  }
0x3d: {  	_ =	shalt  }
0x3e: {  	_ =	shalt  }
0x3f: {  	_ =	shalt  }
0x40: {  	_ =	shalt  }
0x41: {  	_ =	shalt  }
0x42: {  	_ =	shalt  }
0x43: {  	_ =	shalt  }
0x44: {  	_ =	shalt  }
0x45: {  	_ =	shalt  }
0x46: {  	_ =	shalt  }
0x47: {  	_ =	shalt  }
0x48: {  	_ =	shalt  }
0x49: {  	_ =	shalt  }
0x4a: {  	_ =	shalt  }
0x4b: {  	_ =	shalt  }
0x4c: {  	_ =	shalt  }
0x4d: {  	_ =	shalt  }
0x4e: {  	_ =	shalt  }
0x4f: {  	_ =	shalt  }
0x50: {  	_ =	shalt  }
0x51: {  	_ =	shalt  }
0x52: {  	_ =	shalt  }
0x53: {  	_ =	shalt  }
0x54: {  	_ =	shalt  }
0x55: {  	_ =	shalt  }
0x56: {  	_ =	shalt  }
0x57: {  	_ =	shalt  }
0x58: {  	_ =	shalt  }
0x59: {  	_ =	shalt  }
0x5a: {  	_ =	shalt  }
0x5b: {  	_ =	shalt  }
0x5c: {  	_ =	shalt  }
0x5d: {  	_ =	shalt  }
0x5e: {  	_ =	shalt  }
0x5f: {  	_ =	shalt  }
0x60: {  	_ =	shalt  }
0x61: {  	_ =	shalt  }
0x62: {  	_ =	shalt  }
0x63: {  	_ =	shalt  }
0x64: {  	_ =	shalt  }
0x65: {  	_ =	shalt  }
0x66: {  	_ =	shalt  }
0x67: {  	_ =	shalt  }
0x68: {  	_ =	shalt  }
0x69: {  	_ =	shalt  }
0x6a: {  	_ =	shalt  }
0x6b: {  	_ =	shalt  }
0x6c: {  	_ =	shalt  }
0x6d: {  	_ =	shalt  }
0x6e: {  	_ =	shalt  }
0x6f: {  	_ =	shalt  }
0x70: {  	_ =	shalt  }
0x71: {  	_ =	shalt  }
0x72: {  	_ =	shalt  }
0x73: {  	_ =	shalt  }
0x74: {  	_ =	shalt  }
0x75: {  	_ =	shalt  }
0x76: {  	_ =	shalt  }
0x77: {  	_ =	shalt  }
0x78: {  	_ =	shalt  }
0x79: {  	_ =	shalt  }
0x7a: {  	_ =	shalt  }
0x7b: {  	_ =	shalt  }
0x7c: {  	_ =	shalt  }
0x7d: {  	_ =	shalt  }
0x7e: {  	_ =	shalt  }
0x7f: {  	_ =	shalt  }
0x80: {  	_ =	shalt  }
0x81: {  	_ =	shalt  }
0x82: {  	_ =	shalt  }
0x83: {  	_ =	shalt  }
0x84: {  	_ =	shalt  }
0x85: {  	_ =	shalt  }
0x86: {  	_ =	shalt  }
0x87: {  	_ =	shalt  }
.Lfunc_end0:
.L_simem_size_0:
called_computation_lowered:
.L_overlay_start_0:
0x88: {  	s2 =	sld [smem:$0x3FD9]  }
0x89: {  	s3 =	sld [smem:$0x3FFE];
	_ =	sdelay $0x1  }
0x8a: {  	s1 =	srdreg.scid  }
0x8b: {  	s0 =	sand.u32 $0x1, s1  }
0x8c: {  	s14 =	sshll.u32 s0, $0xA;
	s2 =	sadd.s32 s3, s2  }
0x8d: {  	s2 =	sadd.s32 s2, s14  }
0x8e: {  	[smem:$0x3FC2] =	sst s2  }
0x8f: {  	_ = 	snop  }
0x90: {  	s2 =	sld [smem:$0x3FD0];
	_ =	sdelay $0x2  }
0x91: {  	s15 =	simm.s32 $0xA;
	s4 =	simm.s32 $0x10  }
0x92: {  	[smem:s4], [sflag:s15] =	dma.local [hbm:s2], $0x1  }
0x93: {  	_ =	swait.eq [sflag:s15], $0x1  }
0x94: {  	[sflag:s15] =	ssyncset.done $0x0  }
0x95: {  	[sflag:s15] =	ssyncadd.s32 $0xFFFFFFFF  }
0x96: {  	s16 =	sld [smem:$0x11];
	(tm) =	ssettm $0x1  }
0x97: {  	s17 =	sld [smem:$0x3FFB];
	_ =	sdelay $0x3  }
0x98: {  	_ =	strace s17  }
0x99: {  	s3 =	sld [smem:$0x3FFC];
	_ =	sdelay $0x3  }
0x9a: {  	_ =	strace s3  }
0x9b: {  	s3 =	sld [smem:$0x3FFD];
	_ =	sdelay $0x3  }
0x9c: {  	_ =	strace s3  }
0x9d: {  	_ =	strace $0x8FFFFFFF  }
0x9e: {  	s18 =	sld [smem:$0x3FDB];
	_ =	sdelay $0x1  }
0x9f: {  	s19 =	simm.s32 $_scs_section_size  }
0xa0: {  	s5 =	simm.s32 $_size__tile_overlayer_lowered;
	s6 =	simm.s32 $_tile_overlayer_lowered  }
0xa1: {  	s22 =	simm.s32 $0x1BFF;
	s21 =	sshll.u32 s6, $0x1;
	s3 =	sadd.s32 s19, s18  }
0xa2: {  	s7 =	simm.s32 $0x0;
	s20 =	sshll.u32 s5, $0x1;
	s5 =	sadd.s32 s21, s3  }
0xa3: {  	[timem:s7], [sflag:s22] =	dma.local [hbm:s5], s20  }
0xa4: {  	_ =	swait.ge [sflag:s22], s20  }
0xa5: {  	s4 =	ssub.s32 $0x0, s20;
	[sflag:s22] =	ssyncset.done $0x0  }
0xa6: {  	[sflag:s22] =	ssyncadd.s32 s4;
	_ =	sdelay $0x1  }
0xa7: {  	s23 =	simm.s32 $0x1B8B  }
0xa8: {  	_ =	swait.ge [sflag:s23], $0x1  }
0xa9: {  	[sflag:s23] =	ssyncset.done $0x0  }
0xaa: {  	s25 =	simm.s32 $0x1B8E;
	s24 =	sld [smem:$0x3FFE];
	[sflag:s23] =	ssyncadd.s32 $0xFFFFFFFF  }
0xab: {  	s26 =	simm.s32 $execute0_lowered;
	[smem:$0x3FD2] =	sst s25  }
0xac: {  	s5 =	sshll.u32 s26, $0x1;
	_ =	strace $0x80000046;
	[dreg:$0x1] =	wrdreg $0xFFFFFFFF  }
0xad: {  	s28 =	simm.s32 $_size_execute0_lowered;
	s3 =	sadd.s32 s3, s5;
	[dreg:$0x0] =	wrdreg $0x0  }
0xae: {  	s5 =	sshll.u32 s28, $0x1;
	[dreg:$0x2] =	wrdreg s3  }
0xaf: {  	[dreg:$0x3] =	wrdreg s5  }
0xb0: {  	[dreg:$0x4] =	wrdreg $0xC0  }
0xb1: {  	_ =	task [dreg:s7], $0x5FFFF  }
0xb2: {  	[dreg:$0x1] =	wrdreg $0xFFFFFFFF  }
0xb3: {  	[dreg:$0x0] =	wrdreg $0x60  }
0xb4: {  	[dreg:$0x2] =	wrdreg s24  }
0xb5: {  	[dreg:$0x3] =	wrdreg s16  }
0xb6: {  	[dreg:$0x4] =	wrdreg $0x9  }
0xb7: {  	_ =	task.clear_ibuf [dreg:s7], $0x5FFFF;
	_ =	strace $0x90000046  }
0xb8: {  	s29 =	simm.s32 $0x9;
	_ =	strace $0x80000048  }
0xb9: {  	_ =	swait.ge [sflag:s29], $0x1  }
0xba: {  	[sflag:s29] =	ssyncadd.s32 $0xFFFFFFFF  }
0xbb: {  	_ =	strace $0x90000048  }
0xbc: {  	_ =	sfence  }
0xbd: {  	s30 =	sld [smem:$0x0];
	_ =	sdelay $0x2  }
0xbe: {  	s31 =	sshll.u32 s1, $0xD;
	s1 =	sshrl.u32 s1, $0x2  }
0xbf: {  	s3 =	sand.u32 $0x4000, s31;
	s1 =	sadd.s32 s1, s30  }
0xc0: {  	s0 =	sor.u32 s3, s0;
	s1 =	sshll.u32 s1, $0x11  }
0xc1: {  	s0 =	sor.u32 s1, s0  }
0xc2: {  	s0 =	sadd.s32 $0x8F2B, s0  }
0xc3: {  	[sflag:s0] =	ssyncadd.remote.s32 $0x1  }
0xc4: {  	_ =	sfence.sel $0xFFFF  }
0xc5: {  	[dreg:$0x0] =	wrdreg $0xFFFFFFFF;
	(pc) =	sbr.abs _section_cstart, $3  }
0xc6: {  	[dreg:$0x1] =	wrdreg $0xFFFFFFFF  }
0xc7: {  	_ =	task.clear_ibuf [dreg:s7], $0x2FFFF;
	_ =	strace $0x9FFFFFFF  }
0xc8: {  	(tm) =	ssettm $0x7FFFFFFF  }
0xc9: {  	_ =	shalt  }
tec
execute0_lowered:
.L_overlay_start_1:
0x0: {  	(tag) =	ssettag $0x1  }
0x1: {  	s7 =	rddreg [dreg:$0x0]  }
0x2: {  	s2 =	rddreg [dreg:$0x1]  }
0x3: {  	s0 =	rddreg [dreg:$0x2]  }
0x4: {  	s1 =	srdreg.scid;
	_ =	strace $0x80000047;
	s4 =	simm.s32 $0x1  }
0x5: {  	s9 =	simm.s32 $0x3;
	s11 =	simm.s32 $0x0;
	s5 =	sshll.u32 s1, $0x4  }
.Ltmp0:
0x6: {  	s1 =	stileid.u32;
	s5 =	sand.u32 $0x10, s5;
	(pc) =	sbr.rel .LBB2_1-.Ltmp0, $4  }
0x7: {  	p0 =	por $0x0, $0x0;
	s3 =	sadd.s32 $0x200, s7;
	s6 =	sor.u32 s1, s5  }
0x8: {  	[sflag:s4] =	ssyncpa.u1 $0x0;
	s5 =	simm.s32 $0x2;
	s6 =	sshll.u32 s6, $0xC  }
0x9: {  	s7 =	sadd.s32 $0x200200, s7;
	[sflag:s5] =	ssyncpa.u1 $0x0;
	s8 =	sadd.s32 $0x1000, s6  }
0xa: {  	vm0 =	vmmov $0xff;
	vm1 =	vcmask $0x3F20;
	[sflag:s9] =	ssyncpa.u1 $0x0;
	s10 =	smov.u32 s6;
	s9 =	simm.s32 $0x0  }
.LBB2_7:
0xb: {  	p1 =	slt.u32 s9, $0x2;
	s11 =	sadd.s32 $0x100, s10  }
0xc: {  	s13 =	smov.u32 s6;
	s9 =	sadd.s32 $0x1, s9;
	p2 =	slt.s32 s11, s8  }
0xd: {  	s13 =	smov.u32 @p2 s11;
	p2 =	sne.s32 s9, $0x12  }
.Ltmp1:
0xe: {  	_ = 	snop;
	(pc) =	sbr.rel @!p2 .LBB2_8-.Ltmp1, $4  }
0xf: {  	s12 =	simm.s32 @!p1 $0x3  }
0x10: {  	_ =	swait.ge @!p1 [sflag:s12], $0x8000  }
0x11: {  	p0 =	por !p0, !p0;
	[sflag:s12] =	ssyncset.done @!p1 $0x0  }
0x12: {  	s11 =	smov.u32 s10;
	s10 =	smov.u32 s13;
	[sflag:s12] =	ssyncadd.s32 @!p1 $0xFFFF8000  }
.LBB2_1:
0x13: {  	p1 =	sgt.u32 s9, $0xF  }
0x14: {  	s12 =	sxor.u32 @!p1 $0xFFFFFFFF, s9  }
0x15: {  	s13 =	sshrl.u32 @!p1 s10, $0x3;
	s12 =	sshll.u32 @!p1 s12, $0x8  }
0x16: {  	s14 =	sand.u32 @!p1 $0x7, s10;
	s13 =	sadd.s32 @!p1 s2, s13;
	s12 =	sand.u32 @!p1 $0x100, s12  }
0x17: {  	[tilespmem:s12], [sflag:$0x2] =	stream.linear.gather @!p1 [hbm4b:s13+s14], $0x100, $0x38;
	[tilespmem:$0x10200] =	vst v63  }
0x18: {  	p1 =	seq.s32 s9, $0x0  }
0x19: {  	p2 =	seq.s32 @!p1 s9, $0x11  }
0x1a: {  	p1 =	por p1, p2  }
.Ltmp2:
0x1b: {  	_ = 	snop;
	(pc) =	sbr.rel @p1 .LBB2_7-.Ltmp2, $1  }
0x1c: {  	_ =	sdelay $0x3  }
0x1d: {  	s12 =	simm.s32 $0x1  }
0x1e: {  	_ =	swait.ge [sflag:s5], $0x100;
	s12 =	simm.s32 @!p0 $0x0  }
0x1f: {  	[sflag:s5] =	ssyncset.done $0x0;
	s14 =	sshll.u32 s12, $0x8  }
0x20: {  	[sflag:s5] =	ssyncadd.s32 $0xFFFFFF00;
	s13 =	sadd.s32 $0x0, s14  }
0x21: {  	v0 =	vld.msk [tilespmem:s13+$0x0 ss:$0x1], $0xffff;
	_ =	sdelay $0x4  }
0x22: {  	vm2 =	vgt.s32 v0, $0x0  }
0x23: {  	v0 =	vnsel vm2, $0x0, v0  }
0x24: {  	v0 =	vmin.u32 v0, $0x1FFFF  }
0x25: {  	v0 =	vshll.u32 v0, $0x4;
	_ =	sdelay $0x2  }
0x26: {  	s12 =	sshll.u32 s12, $0xF  }
0x27: {  	s12 =	sor.u32 $0x200, s12  }
0x28: {  	[tilespmem:s12], [sflag:$0x1] =	stream.indirect_vreg.gather [hbm:s3], $0x80, v0, vm0, $0x38;
	[tilespmem:$0x10200] =	vst v63  }
0x29: {  	s15 =	sadd.s32 $0x10, s14;
	s13 =	sadd.s32 $0x400, s12  }
0x2a: {  	[tilespmem:s13], [sflag:$0x1] =	stream.indirect_vreg.gather [hbm:s3], $0x80, v0, vm1, $0x38;
	[tilespmem:$0x10200] =	vst v63  }
0x2b: {  	s16 =	simm.s32 $0x80;
	v0 =	vld.msk [tilespmem:s15+$0x0 ss:$0x1], $0xffff;
	s15 =	smov.u32 s12  }
.LBB2_3:
0x2c: {  	p1 =	sne.s32 s16, $0x3C0;
	_ =	sdelay $0x4  }
0x2d: {  	vm2 =	vgt.s32 v0, $0x0  }
0x2e: {  	v0 =	vnsel vm2, $0x0, v0  }
0x2f: {  	v0 =	vmin.u32 v0, $0x1FFFF  }
0x30: {  	v0 =	vshll.u32 v0, $0x4;
	_ =	sdelay $0x3  }
.Ltmp3:
0x31: {  	s17 =	sshra.s32 s16, $0x2;
	s15 =	sadd.s32 $0x800, s15;
	(pc) =	sbr.rel @p1 .LBB2_3-.Ltmp3, $4  }
0x32: {  	[tilespmem:s15], [sflag:$0x1] =	stream.indirect_vreg.gather [hbm:s3], $0x80, v0, vm0, $0x38;
	[tilespmem:$0x10200] =	vst v63  }
0x33: {  	s17 =	sadd.s32 s17, s14;
	s18 =	sadd.s32 $0x400, s15  }
0x34: {  	[tilespmem:s18], [sflag:$0x1] =	stream.indirect_vreg.gather [hbm:s3], $0x80, v0, vm1, $0x38;
	[tilespmem:$0x10200] =	vst v63  }
0x35: {  	s16 =	sadd.s32 $0x40, s16;
	v0 =	vld.msk [tilespmem:s17+$0x0 ss:$0x1], $0xffff  }
0x36: {  	_ =	sdelay $0x3  }
0x37: {  	vm2 =	vgt.s32 v0, $0x0  }
0x38: {  	v0 =	vnsel vm2, $0x0, v0  }
0x39: {  	v0 =	vmin.u32 v0, $0x1FFFF  }
0x3a: {  	v0 =	vshll.u32 v0, $0x4;
	_ =	sdelay $0x3  }
0x3b: {  	s14 =	sadd.s32 $0x800, s15  }
0x3c: {  	[tilespmem:s14], [sflag:$0x1] =	stream.indirect_vreg.gather [hbm:s3], $0x80, v0, vm0, $0x38;
	[tilespmem:$0x10200] =	vst v63  }
0x3d: {  	s14 =	sadd.s32 $0x400, s14  }
0x3e: {  	[tilespmem:s14], [sflag:$0x1] =	stream.indirect_vreg.gather [hbm:s3], $0x80, v0, vm1, $0x38;
	[tilespmem:$0x10200] =	vst v63  }
0x3f: {  	s11 =	sshll.u32 s11, $0x4;
	_ =	swait.ge [sflag:s4], $0x8000  }
0x40: {  	s11 =	sadd.s32 s11, s7;
	[sflag:s4] =	ssyncset.done $0x0  }
0x41: {  	s15 =	sadd.s32 $0x0, s11;
	s14 =	simm.s32 $0x80;
	[sflag:s4] =	ssyncadd.s32 $0xFFFF8000  }
.LBB2_5:
0x42: {  	[hbm:s15] =	stream.linear.scatter [tilespmem:s12], [sflag:$0x3], $0x400, $0x38;
	[tilespmem:$0x10200] =	vst v63  }
0x43: {  	s15 =	smov.u32 s14;
	s12 =	smov.u32 s13;
	p1 =	sne.s32 s14, $0xF80  }
.Ltmp4:
0x44: {  	s14 =	sadd.s32 $0x80, s14;
	(pc) =	sbr.rel @p1 .LBB2_5-.Ltmp4, $2  }
0x45: {  	_ =	sdelay $0x2  }
0x46: {  	s13 =	sadd.s32 $0x400, s13;
	s15 =	sadd.s32 s15, s11  }
.Ltmp5:
0x47: {  	(pc) =	sbr.rel .LBB2_7-.Ltmp5, $2  }
0x48: {  	_ =	sdelay $0x2  }
0x49: {  	[hbm:s15] =	stream.linear.scatter [tilespmem:s12], [sflag:$0x3], $0x400, $0x38;
	[tilespmem:$0x10200] =	vst v63  }
.LBB2_8:
0x4a: {  	_ =	sfence.sel $0x180000  }
0x4b: {  	s2 =	simm.s32 $0x2;
	[bflag:$0x0] =	sbarrier.arrive $0xFFFF  }
0x4c: {  	s30 =	simm.s32 $0x3;
	[sflag:s2] =	ssyncpa.u1 $0x1  }
0x4d: {  	s31 =	simm.s32 $0x1;
	[sflag:s30] =	ssyncpa.u1 $0x1  }
0x4e: {  	[sflag:s31] =	ssyncpa.u1 $0x1  }
0x4f: {  	p0 =	sne.s32 s1, $0x0;
	_ =	strace $0x90000047  }
0x50: {  	s0 =	sadd.s32 @!p0 $0x100000, s0;
	[bflag:$0x2] =	sbarrier.arrive $0xFFFF  }
0x51: {  	[sflag:s0] =	ssyncadd.tile.s32 @!p0 $0x1;
	_ =	shalt  }
.Lfunc_end2:
_tile_overlayer_lowered:
.L_overlay_start_2:
0x52: {  	(tag) =	ssettag $0x2  }
0x53: {  	s0 =	rddreg [dreg:$0x0];
	s2 =	stileid.u32  }
0x54: {  	s1 =	rddreg [dreg:$0x1];
	p0 =	sne.s32 s2, $0x0  }
0x55: {  	s3 =	rddreg [dreg:$0x2];
	[bflag:$0x3] =	sbarrier.arrive $0xFFFF;
	s2 =	simm.s32 @!p0 $0x1C01  }
0x56: {  	[timem:s3], [sflag:s2] =	dma.local @!p0 [hbm:s0], s1  }
0x57: {  	s0 =	simm.s32 @!p0 $0x1  }
0x58: {  	_ =	swait.ge @!p0 [sflag:s0], s1  }
0x59: {  	s1 =	ssub.s32 @!p0 $0x0, s1;
	[sflag:s0] =	ssyncset.done @!p0 $0x0  }
0x5a: {  	[sflag:s0] =	ssyncadd.s32 @!p0 s1  }
0x5b: {  	[bflag:$0x3] =	sbarrier.arrive $0xFFFF  }
0x5c: {  	_ =	shalt  }

</sc_bundles>
